<compile_context>
chip_gen: v7x
topology: tpu7x:2x2x1
jax: 0.10.2.dev20260603
libtpu: 0.0.44.dev20260713+nightly
codegen_flags: <defaults>
</compile_context>

<pallas_src>
import jax
import jax.numpy as jnp
from jax import lax
from jax.experimental import pallas as pl
from jax.experimental.pallas import tpu as pltpu
from jax.experimental.pallas import tpu_sc as plsc

_NUM_CLASS = 3
_NW = 32
_CH = 8192

_LP = (
    2.213365940550993e-05,
    0.9990101957178754,
    -0.4891557228193072,
    0.2833022757650565,
    -0.13011784776014965,
    0.030102226625878577,
)


def _sc_body(
    xt_hbm, labels_hbm, loss_hbm, pos_hbm, xb0, xb1, lb0, lb1, outv, sem0, sem1
):
    n = labels_hbm.shape[0]
    pt_per_w = n // _NW
    n_chunks = pt_per_w // _CH
    wid = lax.axis_index("s") * 2 + lax.axis_index("c")
    xbufs = (xb0, xb1)
    lbufs = (lb0, lb1)
    sems = (sem0, sem1)

    def issue(c, b):
        base = wid * pt_per_w + c * _CH
        hx = pltpu.async_copy(
            xt_hbm.at[pl.ds(0, _NUM_CLASS), pl.ds(base, _CH)], xbufs[b], sems[b]
        )
        hl = pltpu.async_copy(labels_hbm.at[pl.ds(base, _CH)], lbufs[b], sems[b])
        return hx, hl

    carry = (jnp.zeros((16,), jnp.float32),) * 4
    pending = issue(0, 0)
    for c in range(n_chunks):
        b = c % 2
        pending[0].wait()
        pending[1].wait()
        if c + 1 < n_chunks:
            pending = issue(c + 1, (c + 1) % 2)
        xbuf = xbufs[b]
        labbuf = lbufs[b]

        @plsc.parallel_loop(0, _CH // 16, carry=carry, unroll=8)
        def group(k, carry2):
            a0, a1, a2, a_p = carry2
            accs = [a0, a1, a2]
            lab16 = labbuf[pl.ds(k * 16, 16)]
            a_p = a_p + jnp.where(lab16 > 0, 1.0, 0.0)
            for cls in range(_NUM_CLASS):
                x = xbuf[cls, pl.ds(k * 16, 16)]
                hot = lab16 == cls + 1
                u = jnp.where(hot, -1.0, 1.0)
                aw = jnp.where(hot, 0.25, 0.75)
                y = x * u
                e = jnp.exp(-jnp.abs(x))
                sp = _LP[0] + e * (
                    _LP[1] + e * (_LP[2] + e * (_LP[3] + e * (_LP[4] + e * _LP[5])))
                )
                bce = jnp.maximum(y, 0.0) + sp
                pt = jnp.where(y >= 0.0, 1.0, e) / (1.0 + e)
                accs[cls] = accs[cls] + (aw * (pt * pt)) * bce
            return accs[0], accs[1], accs[2], a_p

        carry = group

    a0, a1, a2, acc_p = carry
    outv[...] = (a0 + a1) + a2
    pltpu.sync_copy(outv, loss_hbm.at[wid])
    outv[...] = acc_p
    pltpu.sync_copy(outv, pos_hbm.at[wid])


def kernel(point_cls_preds, point_cls_labels):
    xt = point_cls_preds.T
    mesh = plsc.VectorSubcoreMesh(core_axis_name="c", subcore_axis_name="s")
    sc_call = pl.kernel(
        _sc_body,
        out_type=[
            jax.ShapeDtypeStruct((_NW, 16), jnp.float32),
            jax.ShapeDtypeStruct((_NW, 16), jnp.float32),
        ],
        mesh=mesh,
        scratch_types=[
            pltpu.VMEM((_NUM_CLASS, _CH), jnp.float32),
            pltpu.VMEM((_NUM_CLASS, _CH), jnp.float32),
            pltpu.VMEM((_CH,), jnp.int32),
            pltpu.VMEM((_CH,), jnp.int32),
            pltpu.VMEM((16,), jnp.float32),
            pltpu.SemaphoreType.DMA,
            pltpu.SemaphoreType.DMA,
        ],
    )
    loss_parts, pos_parts = sc_call(xt, point_cls_labels)
    pos = jnp.sum(pos_parts)
    return jnp.sum(loss_parts) / jnp.maximum(pos, 1.0)

# --- scband reference (transcript-rebuilt; emitter-appended) ---
"""Pipeline reference for scband-point-head-template-13262859010798 (READ-ONLY COPY).

The authoritative reference and input builder live on the scoring server;
editing this copy changes nothing except your own understanding.
"""

import jax, jax.numpy as jnp
import numpy as np

NUM_CLASS = 3
ALPHA = 0.25
GAMMA = 2.0
POINT_CLS_WEIGHT = 1.0


def _sigmoid_focal_loss(preds, targets, weights):
    # SigmoidFocalClassificationLoss(alpha=0.25, gamma=2.0) from OpenPCDet loss_utils
    pred_sigmoid = jax.nn.sigmoid(preds)
    alpha_weight = targets * ALPHA + (1.0 - targets) * (1.0 - ALPHA)
    pt = targets * (1.0 - pred_sigmoid) + (1.0 - targets) * pred_sigmoid
    focal_weight = alpha_weight * jnp.power(pt, GAMMA)
    # numerically-stable sigmoid cross entropy with logits
    bce = jnp.maximum(preds, 0.0) - preds * targets + jnp.log1p(jnp.exp(-jnp.abs(preds)))
    loss = focal_weight * bce
    return loss * weights[..., None]


def setup_inputs(seed: int = 0) -> dict:
    key = jax.random.key(seed)
    k1, k2 = jax.random.split(key)
    N = 1048576
    point_cls_preds = jax.random.normal(k1, (N, NUM_CLASS), dtype=jnp.float32)
    # labels in {0..NUM_CLASS}; 0 = background, >0 = foreground class
    point_cls_labels = jax.random.randint(k2, (N,), 0, NUM_CLASS + 1, dtype=jnp.int32)
    return {"point_cls_preds": point_cls_preds, "point_cls_labels": point_cls_labels}


def reference(point_cls_preds, point_cls_labels):
    # PointHeadTemplate.get_cls_layer_loss
    labels = point_cls_labels.reshape(-1)
    preds = point_cls_preds.reshape(-1, NUM_CLASS)
    positives = labels > 0
    negative_cls_weights = (labels == 0).astype(jnp.float32)
    cls_weights = negative_cls_weights + 1.0 * positives.astype(jnp.float32)
    pos_normalizer = positives.sum().astype(jnp.float32)
    cls_weights = cls_weights / jnp.maximum(pos_normalizer, 1.0)
    # one_hot_targets.scatter_(-1, (labels * (labels >= 0)).unsqueeze(-1), 1.0)
    scatter_idx = labels * (labels >= 0).astype(labels.dtype)
    one_hot = jnp.zeros((labels.shape[0], NUM_CLASS + 1), dtype=preds.dtype)
    one_hot = one_hot.at[jnp.arange(labels.shape[0]), scatter_idx].set(1.0)
    one_hot = one_hot[..., 1:]
    cls_loss_src = _sigmoid_focal_loss(preds, one_hot, cls_weights)
    point_loss_cls = cls_loss_src.sum() * POINT_CLS_WEIGHT
    return point_loss_cls

if __name__ == "__main__":
    import jax
    _d = setup_inputs()
    print(jax.jit(kernel)(*tuple(_d.values())))

</pallas_src>

<mosaic_0001>
#map = affine_map<(d0, d1) -> (0, 0)>
#map1 = affine_map<(d0, d1) -> (0)>
module attributes {stable_mosaic.version = 14 : i64} {
  func.func @_sc_body(%arg0: i32, %arg1: i32, %arg2: memref<3x1048576xf32, #tpu.memory_space<hbm>>, %arg3: memref<1048576xi32, #tpu.memory_space<hbm>>, %arg4: memref<32x16xf32, #tpu.memory_space<hbm>>, %arg5: memref<32x16xf32, #tpu.memory_space<hbm>>, %arg6: memref<3x8192xf32, #tpu.memory_space<vmem>>, %arg7: memref<3x8192xf32, #tpu.memory_space<vmem>>, %arg8: memref<8192xi32, #tpu.memory_space<vmem>>, %arg9: memref<8192xi32, #tpu.memory_space<vmem>>, %arg10: memref<16xf32, #tpu.memory_space<vmem>>, %arg11: memref<!tpu.dma_semaphore, #tpu.memory_space<semaphore_mem>>, %arg12: memref<!tpu.dma_semaphore, #tpu.memory_space<semaphore_mem>>) attributes {dimension_semantics = [#tpu.dimension_semantics<core_parallel>, #tpu.dimension_semantics<subcore_parallel>], iteration_bounds = array<i64: 2, 16>, scalar_prefetch = 0 : i64, scratch_operands = 7 : i64, tpu.core_type = #tpu.core_type<sc_vector_subcore>, window_params = [{transform_indices = #map}, {transform_indices = #map1}, {transform_indices = #map}, {transform_indices = #map}]} {
    %mul3A = arith.constant 2 : i32
    %mul3A_0 = arith.muli %arg1, %mul3A : i32
    %add3A = arith.addi %mul3A_0, %arg0 : i32
    %broadcast_in_dim3A = arith.constant 0.000000e+00 : f32
    %broadcast_in_dim3A_1 = vector.broadcast %broadcast_in_dim3A : f32 to vector<16xf32>
    %mul3A_2 = arith.constant 32768 : i32
    %mul3A_3 = arith.muli %add3A, %mul3A_2 : i32
    %add3A_4 = arith.constant 0 : i32
    %add3A_5 = arith.addi %mul3A_3, %add3A_4 : i32
    %dma_start3A = arith.constant 0 : i32
    %dma_start3A_6 = tpu.memref_slice %arg2[%dma_start3A, %add3A_5] : memref<3x1048576xf32, #tpu.memory_space<hbm>> -> memref<3x8192xf32, #tpu.memory_space<hbm>>
    %dma_start3A_7 = arith.constant 0 : i32
    %dma_start3A_8 = tpu.memref_slice %arg2[%dma_start3A_7, %add3A_5] : memref<3x1048576xf32, #tpu.memory_space<hbm>> -> memref<3x8192xf32, #tpu.memory_space<hbm>>
    tpu.enqueue_dma source(%dma_start3A_8 : memref<3x8192xf32, #tpu.memory_space<hbm>>) target(%arg6 : memref<3x8192xf32, #tpu.memory_space<vmem>>) target_semaphore(%arg11 : memref<!tpu.dma_semaphore, #tpu.memory_space<semaphore_mem>>)
    %dma_start3A_9 = tpu.memref_slice %arg3[%add3A_5] : memref<1048576xi32, #tpu.memory_space<hbm>> -> memref<8192xi32, #tpu.memory_space<hbm>>
    %dma_start3A_10 = tpu.memref_slice %arg3[%add3A_5] : memref<1048576xi32, #tpu.memory_space<hbm>> -> memref<8192xi32, #tpu.memory_space<hbm>>
    tpu.enqueue_dma source(%dma_start3A_10 : memref<8192xi32, #tpu.memory_space<hbm>>) target(%arg8 : memref<8192xi32, #tpu.memory_space<vmem>>) target_semaphore(%arg11 : memref<!tpu.dma_semaphore, #tpu.memory_space<semaphore_mem>>)
    %dma_wait3A = arith.constant 0 : i32
    %dma_wait3A_11 = tpu.memref_slice %arg2[%dma_wait3A, %add3A_5] : memref<3x1048576xf32, #tpu.memory_space<hbm>> -> memref<3x8192xf32, #tpu.memory_space<hbm>>
    %dma_wait3A_12 = arith.constant 0 : i32
    %dma_wait3A_13 = tpu.memref_slice %arg2[%dma_wait3A_12, %add3A_5] : memref<3x1048576xf32, #tpu.memory_space<hbm>> -> memref<3x8192xf32, #tpu.memory_space<hbm>>
    tpu.wait_dma2 semaphore(%arg11 : memref<!tpu.dma_semaphore, #tpu.memory_space<semaphore_mem>>) src(%dma_wait3A_13 : memref<3x8192xf32, #tpu.memory_space<hbm>>) dst(%arg6 : memref<3x8192xf32, #tpu.memory_space<vmem>>)
    %dma_wait3A_14 = tpu.memref_slice %arg3[%add3A_5] : memref<1048576xi32, #tpu.memory_space<hbm>> -> memref<8192xi32, #tpu.memory_space<hbm>>
    %dma_wait3A_15 = tpu.memref_slice %arg3[%add3A_5] : memref<1048576xi32, #tpu.memory_space<hbm>> -> memref<8192xi32, #tpu.memory_space<hbm>>
    tpu.wait_dma2 semaphore(%arg11 : memref<!tpu.dma_semaphore, #tpu.memory_space<semaphore_mem>>) src(%dma_wait3A_15 : memref<8192xi32, #tpu.memory_space<hbm>>) dst(%arg8 : memref<8192xi32, #tpu.memory_space<vmem>>)
    %mul3A_16 = arith.constant 32768 : i32
    %mul3A_17 = arith.muli %add3A, %mul3A_16 : i32
    %add3A_18 = arith.constant 8192 : i32
    %add3A_19 = arith.addi %mul3A_17, %add3A_18 : i32
    %dma_start3A_20 = arith.constant 0 : i32
    %dma_start3A_21 = tpu.memref_slice %arg2[%dma_start3A_20, %add3A_19] : memref<3x1048576xf32, #tpu.memory_space<hbm>> -> memref<3x8192xf32, #tpu.memory_space<hbm>>
    %dma_start3A_22 = arith.constant 0 : i32
    %dma_start3A_23 = tpu.memref_slice %arg2[%dma_start3A_22, %add3A_19] : memref<3x1048576xf32, #tpu.memory_space<hbm>> -> memref<3x8192xf32, #tpu.memory_space<hbm>>
    tpu.enqueue_dma source(%dma_start3A_23 : memref<3x8192xf32, #tpu.memory_space<hbm>>) target(%arg7 : memref<3x8192xf32, #tpu.memory_space<vmem>>) target_semaphore(%arg12 : memref<!tpu.dma_semaphore, #tpu.memory_space<semaphore_mem>>)
    %dma_start3A_24 = tpu.memref_slice %arg3[%add3A_19] : memref<1048576xi32, #tpu.memory_space<hbm>> -> memref<8192xi32, #tpu.memory_space<hbm>>
    %dma_start3A_25 = tpu.memref_slice %arg3[%add3A_19] : memref<1048576xi32, #tpu.memory_space<hbm>> -> memref<8192xi32, #tpu.memory_space<hbm>>
    tpu.enqueue_dma source(%dma_start3A_25 : memref<8192xi32, #tpu.memory_space<hbm>>) target(%arg9 : memref<8192xi32, #tpu.memory_space<vmem>>) target_semaphore(%arg12 : memref<!tpu.dma_semaphore, #tpu.memory_space<semaphore_mem>>)
    %parallel_loop3A = arith.constant 0 : i32
    %parallel_loop3A_26 = arith.constant 512 : i32
    %parallel_loop3A_27 = arith.constant 1 : i32
    %parallel_loop3A_28:4 = scf.for %parallel_loop3A_88 = %parallel_loop3A to %parallel_loop3A_26 step %parallel_loop3A_27 iter_args(%parallel_loop3A_89 = %broadcast_in_dim3A_1, %parallel_loop3A_90 = %broadcast_in_dim3A_1, %parallel_loop3A_91 = %broadcast_in_dim3A_1, %parallel_loop3A_92 = %broadcast_in_dim3A_1) -> (vector<16xf32>, vector<16xf32>, vector<16xf32>, vector<16xf32>)  : i32 {
      %parallel_loop3A_93 = arith.constant 16 : i32
      %parallel_loop3A_94 = arith.muli %parallel_loop3A_88, %parallel_loop3A_93 : i32
      %parallel_loop3A_95 = arith.index_cast %parallel_loop3A_94 : i32 to index
      %parallel_loop3A_96 = tpu.vector_load %arg8[%parallel_loop3A_95] {strides = array<i32>} : memref<8192xi32, #tpu.memory_space<vmem>>, vector<16xi32>,
      %parallel_loop3A_97 = vector.shape_cast %parallel_loop3A_96 : vector<16xi32> to vector<16xi32>
      %parallel_loop3A_98 = arith.constant 0 : i32
      %parallel_loop3A_99 = vector.broadcast %parallel_loop3A_98 : i32 to vector<16xi32>
      %parallel_loop3A_100 = arith.cmpi sgt, %parallel_loop3A_97, %parallel_loop3A_99 : vector<16xi32>
      %parallel_loop3A_101 = arith.constant 1.000000e+00 : f32
      %parallel_loop3A_102 = arith.constant 0.000000e+00 : f32
      %parallel_loop3A_103 = vector.broadcast %parallel_loop3A_101 : f32 to vector<16xf32>
      %parallel_loop3A_104 = vector.broadcast %parallel_loop3A_102 : f32 to vector<16xf32>
      %parallel_loop3A_105 = arith.select %parallel_loop3A_100, %parallel_loop3A_103, %parallel_loop3A_104 : vector<16xi1>, vector<16xf32>
      %parallel_loop3A_106 = arith.addf %parallel_loop3A_92, %parallel_loop3A_105 : vector<16xf32>
      %parallel_loop3A_107 = arith.constant 16 : i32
      %parallel_loop3A_108 = arith.muli %parallel_loop3A_88, %parallel_loop3A_107 : i32
      %parallel_loop3A_109 = arith.constant 0 : i32
      %parallel_loop3A_110 = arith.index_cast %parallel_loop3A_109 : i32 to index
      %parallel_loop3A_111 = arith.index_cast %parallel_loop3A_108 : i32 to index
      %parallel_loop3A_112 = tpu.vector_load %arg6[%parallel_loop3A_110, %parallel_loop3A_111] {strides = array<i32>} : memref<3x8192xf32, #tpu.memory_space<vmem>>, vector<1x16xf32>,
      %parallel_loop3A_113 = vector.shape_cast %parallel_loop3A_112 : vector<1x16xf32> to vector<16xf32>
      %parallel_loop3A_114 = arith.constant 1 : i32
      %parallel_loop3A_115 = vector.broadcast %parallel_loop3A_114 : i32 to vector<16xi32>
      %parallel_loop3A_116 = arith.cmpi eq, %parallel_loop3A_97, %parallel_loop3A_115 : vector<16xi32>
      %parallel_loop3A_117 = arith.constant -1.000000e+00 : f32
      %parallel_loop3A_118 = arith.constant 1.000000e+00 : f32
      %parallel_loop3A_119 = vector.broadcast %parallel_loop3A_117 : f32 to vector<16xf32>
      %parallel_loop3A_120 = vector.broadcast %parallel_loop3A_118 : f32 to vector<16xf32>
      %parallel_loop3A_121 = arith.select %parallel_loop3A_116, %parallel_loop3A_119, %parallel_loop3A_120 : vector<16xi1>, vector<16xf32>
      %parallel_loop3A_122 = arith.constant 2.500000e-01 : f32
      %parallel_loop3A_123 = arith.constant 7.500000e-01 : f32
      %parallel_loop3A_124 = vector.broadcast %parallel_loop3A_122 : f32 to vector<16xf32>
      %parallel_loop3A_125 = vector.broadcast %parallel_loop3A_123 : f32 to vector<16xf32>
      %parallel_loop3A_126 = arith.select %parallel_loop3A_116, %parallel_loop3A_124, %parallel_loop3A_125 : vector<16xi1>, vector<16xf32>
      %parallel_loop3A_127 = arith.mulf %parallel_loop3A_113, %parallel_loop3A_121 : vector<16xf32>
      %parallel_loop3A_128 = math.absf %parallel_loop3A_113 : vector<16xf32>
      %parallel_loop3A_129 = arith.constant 0.000000e+00 : f32
      %parallel_loop3A_130 = vector.broadcast %parallel_loop3A_129 : f32 to vector<16xf32>
      %parallel_loop3A_131 = arith.subf %parallel_loop3A_130, %parallel_loop3A_128 : vector<16xf32>
      %parallel_loop3A_132 = math.exp %parallel_loop3A_131 : vector<16xf32>
      %parallel_loop3A_133 = arith.constant 0.0301022269 : f32
      %parallel_loop3A_134 = vector.broadcast %parallel_loop3A_133 : f32 to vector<16xf32>
      %parallel_loop3A_135 = arith.mulf %parallel_loop3A_132, %parallel_loop3A_134 : vector<16xf32>
      %parallel_loop3A_136 = arith.constant -0.130117849 : f32
      %parallel_loop3A_137 = vector.broadcast %parallel_loop3A_136 : f32 to vector<16xf32>
      %parallel_loop3A_138 = arith.addf %parallel_loop3A_137, %parallel_loop3A_135 : vector<16xf32>
      %parallel_loop3A_139 = arith.mulf %parallel_loop3A_132, %parallel_loop3A_138 : vector<16xf32>
      %parallel_loop3A_140 = arith.constant 0.283302277 : f32
      %parallel_loop3A_141 = vector.broadcast %parallel_loop3A_140 : f32 to vector<16xf32>
      %parallel_loop3A_142 = arith.addf %parallel_loop3A_141, %parallel_loop3A_139 : vector<16xf32>
      %parallel_loop3A_143 = arith.mulf %parallel_loop3A_132, %parallel_loop3A_142 : vector<16xf32>
      %parallel_loop3A_144 = arith.constant -0.48915571 : f32
      %parallel_loop3A_145 = vector.broadcast %parallel_loop3A_144 : f32 to vector<16xf32>
      %parallel_loop3A_146 = arith.addf %parallel_loop3A_145, %parallel_loop3A_143 : vector<16xf32>
      %parallel_loop3A_147 = arith.mulf %parallel_loop3A_132, %parallel_loop3A_146 : vector<16xf32>
      %parallel_loop3A_148 = arith.constant 0.999010205 : f32
      %parallel_loop3A_149 = vector.broadcast %parallel_loop3A_148 : f32 to vector<16xf32>
      %parallel_loop3A_150 = arith.addf %parallel_loop3A_149, %parallel_loop3A_147 : vector<16xf32>
      %parallel_loop3A_151 = arith.mulf %parallel_loop3A_132, %parallel_loop3A_150 : vector<16xf32>
      %parallel_loop3A_152 = arith.constant 2.21336595E-5 : f32
      %parallel_loop3A_153 = vector.broadcast %parallel_loop3A_152 : f32 to vector<16xf32>
      %parallel_loop3A_154 = arith.addf %parallel_loop3A_153, %parallel_loop3A_151 : vector<16xf32>
      %parallel_loop3A_155 = arith.constant 0.000000e+00 : f32
      %parallel_loop3A_156 = vector.broadcast %parallel_loop3A_155 : f32 to vector<16xf32>
      %parallel_loop3A_157 = arith.maximumf %parallel_loop3A_127, %parallel_loop3A_156 : vector<16xf32>
      %parallel_loop3A_158 = arith.addf %parallel_loop3A_157, %parallel_loop3A_154 : vector<16xf32>
      %parallel_loop3A_159 = arith.constant 0.000000e+00 : f32
      %parallel_loop3A_160 = vector.broadcast %parallel_loop3A_159 : f32 to vector<16xf32>
      %parallel_loop3A_161 = arith.cmpf oge, %parallel_loop3A_127, %parallel_loop3A_160 : vector<16xf32>
      %parallel_loop3A_162 = arith.constant 1.000000e+00 : f32
      %parallel_loop3A_163 = vector.broadcast %parallel_loop3A_162 : f32 to vector<16xf32>
      %parallel_loop3A_164 = arith.select %parallel_loop3A_161, %parallel_loop3A_163, %parallel_loop3A_132 : vector<16xi1>, vector<16xf32>
      %parallel_loop3A_165 = arith.constant 1.000000e+00 : f32
      %parallel_loop3A_166 = vector.broadcast %parallel_loop3A_165 : f32 to vector<16xf32>
      %parallel_loop3A_167 = arith.addf %parallel_loop3A_166, %parallel_loop3A_132 : vector<16xf32>
      %parallel_loop3A_168 = arith.divf %parallel_loop3A_164, %parallel_loop3A_167 : vector<16xf32>
      %parallel_loop3A_169 = arith.mulf %parallel_loop3A_168, %parallel_loop3A_168 : vector<16xf32>
      %parallel_loop3A_170 = arith.mulf %parallel_loop3A_126, %parallel_loop3A_169 : vector<16xf32>
      %parallel_loop3A_171 = arith.mulf %parallel_loop3A_170, %parallel_loop3A_158 : vector<16xf32>
      %parallel_loop3A_172 = arith.addf %parallel_loop3A_89, %parallel_loop3A_171 : vector<16xf32>
      %parallel_loop3A_173 = arith.constant 16 : i32
      %parallel_loop3A_174 = arith.muli %parallel_loop3A_88, %parallel_loop3A_173 : i32
      %parallel_loop3A_175 = arith.constant 1 : i32
      %parallel_loop3A_176 = arith.index_cast %parallel_loop3A_175 : i32 to index
      %parallel_loop3A_177 = arith.index_cast %parallel_loop3A_174 : i32 to index
      %parallel_loop3A_178 = tpu.vector_load %arg6[%parallel_loop3A_176, %parallel_loop3A_177] {strides = array<i32>} : memref<3x8192xf32, #tpu.memory_space<vmem>>, vector<1x16xf32>,
      %parallel_loop3A_179 = vector.shape_cast %parallel_loop3A_178 : vector<1x16xf32> to vector<16xf32>
      %parallel_loop3A_180 = arith.constant 2 : i32
      %parallel_loop3A_181 = vector.broadcast %parallel_loop3A_180 : i32 to vector<16xi32>
      %parallel_loop3A_182 = arith.cmpi eq, %parallel_loop3A_97, %parallel_loop3A_181 : vector<16xi32>
      %parallel_loop3A_183 = arith.constant -1.000000e+00 : f32
      %parallel_loop3A_184 = arith.constant 1.000000e+00 : f32
      %parallel_loop3A_185 = vector.broadcast %parallel_loop3A_183 : f32 to vector<16xf32>
      %parallel_loop3A_186 = vector.broadcast %parallel_loop3A_184 : f32 to vector<16xf32>
      %parallel_loop3A_187 = arith.select %parallel_loop3A_182, %parallel_loop3A_185, %parallel_loop3A_186 : vector<16xi1>, vector<16xf32>
      %parallel_loop3A_188 = arith.constant 2.500000e-01 : f32
      %parallel_loop3A_189 = arith.constant 7.500000e-01 : f32
      %parallel_loop3A_190 = vector.broadcast %parallel_loop3A_188 : f32 to vector<16xf32>
      %parallel_loop3A_191 = vector.broadcast %parallel_loop3A_189 : f32 to vector<16xf32>
      %parallel_loop3A_192 = arith.select %parallel_loop3A_182, %parallel_loop3A_190, %parallel_loop3A_191 : vector<16xi1>, vector<16xf32>
      %parallel_loop3A_193 = arith.mulf %parallel_loop3A_179, %parallel_loop3A_187 : vector<16xf32>
      %parallel_loop3A_194 = math.absf %parallel_loop3A_179 : vector<16xf32>
      %parallel_loop3A_195 = arith.constant 0.000000e+00 : f32
      %parallel_loop3A_196 = vector.broadcast %parallel_loop3A_195 : f32 to vector<16xf32>
      %parallel_loop3A_197 = arith.subf %parallel_loop3A_196, %parallel_loop3A_194 : vector<16xf32>
      %parallel_loop3A_198 = math.exp %parallel_loop3A_197 : vector<16xf32>
      %parallel_loop3A_199 = arith.constant 0.0301022269 : f32
      %parallel_loop3A_200 = vector.broadcast %parallel_loop3A_199 : f32 to vector<16xf32>
      %parallel_loop3A_201 = arith.mulf %parallel_loop3A_198, %parallel_loop3A_200 : vector<16xf32>
      %parallel_loop3A_202 = arith.constant -0.130117849 : f32
      %parallel_loop3A_203 = vector.broadcast %parallel_loop3A_202 : f32 to vector<16xf32>
      %parallel_loop3A_204 = arith.addf %parallel_loop3A_203, %parallel_loop3A_201 : vector<16xf32>
      %parallel_loop3A_205 = arith.mulf %parallel_loop3A_198, %parallel_loop3A_204 : vector<16xf32>
      %parallel_loop3A_206 = arith.constant 0.283302277 : f32
      %parallel_loop3A_207 = vector.broadcast %parallel_loop3A_206 : f32 to vector<16xf32>
      %parallel_loop3A_208 = arith.addf %parallel_loop3A_207, %parallel_loop3A_205 : vector<16xf32>
      %parallel_loop3A_209 = arith.mulf %parallel_loop3A_198, %parallel_loop3A_208 : vector<16xf32>
      %parallel_loop3A_210 = arith.constant -0.48915571 : f32
      %parallel_loop3A_211 = vector.broadcast %parallel_loop3A_210 : f32 to vector<16xf32>
      %parallel_loop3A_212 = arith.addf %parallel_loop3A_211, %parallel_loop3A_209 : vector<16xf32>
      %parallel_loop3A_213 = arith.mulf %parallel_loop3A_198, %parallel_loop3A_212 : vector<16xf32>
      %parallel_loop3A_214 = arith.constant 0.999010205 : f32
      %parallel_loop3A_215 = vector.broadcast %parallel_loop3A_214 : f32 to vector<16xf32>
      %parallel_loop3A_216 = arith.addf %parallel_loop3A_215, %parallel_loop3A_213 : vector<16xf32>
      %parallel_loop3A_217 = arith.mulf %parallel_loop3A_198, %parallel_loop3A_216 : vector<16xf32>
      %parallel_loop3A_218 = arith.constant 2.21336595E-5 : f32
      %parallel_loop3A_219 = vector.broadcast %parallel_loop3A_218 : f32 to vector<16xf32>
      %parallel_loop3A_220 = arith.addf %parallel_loop3A_219, %parallel_loop3A_217 : vector<16xf32>
      %parallel_loop3A_221 = arith.constant 0.000000e+00 : f32
      %parallel_loop3A_222 = vector.broadcast %parallel_loop3A_221 : f32 to vector<16xf32>
      %parallel_loop3A_223 = arith.maximumf %parallel_loop3A_193, %parallel_loop3A_222 : vector<16xf32>
      %parallel_loop3A_224 = arith.addf %parallel_loop3A_223, %parallel_loop3A_220 : vector<16xf32>
      %parallel_loop3A_225 = arith.constant 0.000000e+00 : f32
      %parallel_loop3A_226 = vector.broadcast %parallel_loop3A_225 : f32 to vector<16xf32>
      %parallel_loop3A_227 = arith.cmpf oge, %parallel_loop3A_193, %parallel_loop3A_226 : vector<16xf32>
      %parallel_loop3A_228 = arith.constant 1.000000e+00 : f32
      %parallel_loop3A_229 = vector.broadcast %parallel_loop3A_228 : f32 to vector<16xf32>
      %parallel_loop3A_230 = arith.select %parallel_loop3A_227, %parallel_loop3A_229, %parallel_loop3A_198 : vector<16xi1>, vector<16xf32>
      %parallel_loop3A_231 = arith.constant 1.000000e+00 : f32
      %parallel_loop3A_232 = vector.broadcast %parallel_loop3A_231 : f32 to vector<16xf32>
      %parallel_loop3A_233 = arith.addf %parallel_loop3A_232, %parallel_loop3A_198 : vector<16xf32>
      %parallel_loop3A_234 = arith.divf %parallel_loop3A_230, %parallel_loop3A_233 : vector<16xf32>
      %parallel_loop3A_235 = arith.mulf %parallel_loop3A_234, %parallel_loop3A_234 : vector<16xf32>
      %parallel_loop3A_236 = arith.mulf %parallel_loop3A_192, %parallel_loop3A_235 : vector<16xf32>
      %parallel_loop3A_237 = arith.mulf %parallel_loop3A_236, %parallel_loop3A_224 : vector<16xf32>
      %parallel_loop3A_238 = arith.addf %parallel_loop3A_90, %parallel_loop3A_237 : vector<16xf32>
      %parallel_loop3A_239 = arith.constant 16 : i32
      %parallel_loop3A_240 = arith.muli %parallel_loop3A_88, %parallel_loop3A_239 : i32
      %parallel_loop3A_241 = arith.constant 2 : i32
      %parallel_loop3A_242 = arith.index_cast %parallel_loop3A_241 : i32 to index
      %parallel_loop3A_243 = arith.index_cast %parallel_loop3A_240 : i32 to index
      %parallel_loop3A_244 = tpu.vector_load %arg6[%parallel_loop3A_242, %parallel_loop3A_243] {strides = array<i32>} : memref<3x8192xf32, #tpu.memory_space<vmem>>, vector<1x16xf32>,
      %parallel_loop3A_245 = vector.shape_cast %parallel_loop3A_244 : vector<1x16xf32> to vector<16xf32>
      %parallel_loop3A_246 = arith.constant 3 : i32
      %parallel_loop3A_247 = vector.broadcast %parallel_loop3A_246 : i32 to vector<16xi32>
      %parallel_loop3A_248 = arith.cmpi eq, %parallel_loop3A_97, %parallel_loop3A_247 : vector<16xi32>
      %parallel_loop3A_249 = arith.constant -1.000000e+00 : f32
      %parallel_loop3A_250 = arith.constant 1.000000e+00 : f32
      %parallel_loop3A_251 = vector.broadcast %parallel_loop3A_249 : f32 to vector<16xf32>
      %parallel_loop3A_252 = vector.broadcast %parallel_loop3A_250 : f32 to vector<16xf32>
      %parallel_loop3A_253 = arith.select %parallel_loop3A_248, %parallel_loop3A_251, %parallel_loop3A_252 : vector<16xi1>, vector<16xf32>
      %parallel_loop3A_254 = arith.constant 2.500000e-01 : f32
      %parallel_loop3A_255 = arith.constant 7.500000e-01 : f32
      %parallel_loop3A_256 = vector.broadcast %parallel_loop3A_254 : f32 to vector<16xf32>
      %parallel_loop3A_257 = vector.broadcast %parallel_loop3A_255 : f32 to vector<16xf32>
      %parallel_loop3A_258 = arith.select %parallel_loop3A_248, %parallel_loop3A_256, %parallel_loop3A_257 : vector<16xi1>, vector<16xf32>
      %parallel_loop3A_259 = arith.mulf %parallel_loop3A_245, %parallel_loop3A_253 : vector<16xf32>
      %parallel_loop3A_260 = math.absf %parallel_loop3A_245 : vector<16xf32>
      %parallel_loop3A_261 = arith.constant 0.000000e+00 : f32
      %parallel_loop3A_262 = vector.broadcast %parallel_loop3A_261 : f32 to vector<16xf32>
      %parallel_loop3A_263 = arith.subf %parallel_loop3A_262, %parallel_loop3A_260 : vector<16xf32>
      %parallel_loop3A_264 = math.exp %parallel_loop3A_263 : vector<16xf32>
      %parallel_loop3A_265 = arith.constant 0.0301022269 : f32
      %parallel_loop3A_266 = vector.broadcast %parallel_loop3A_265 : f32 to vector<16xf32>
      %parallel_loop3A_267 = arith.mulf %parallel_loop3A_264, %parallel_loop3A_266 : vector<16xf32>
      %parallel_loop3A_268 = arith.constant -0.130117849 : f32
      %parallel_loop3A_269 = vector.broadcast %parallel_loop3A_268 : f32 to vector<16xf32>
      %parallel_loop3A_270 = arith.addf %parallel_loop3A_269, %parallel_loop3A_267 : vector<16xf32>
      %parallel_loop3A_271 = arith.mulf %parallel_loop3A_264, %parallel_loop3A_270 : vector<16xf32>
      %parallel_loop3A_272 = arith.constant 0.283302277 : f32
      %parallel_loop3A_273 = vector.broadcast %parallel_loop3A_272 : f32 to vector<16xf32>
      %parallel_loop3A_274 = arith.addf %parallel_loop3A_273, %parallel_loop3A_271 : vector<16xf32>
      %parallel_loop3A_275 = arith.mulf %parallel_loop3A_264, %parallel_loop3A_274 : vector<16xf32>
      %parallel_loop3A_276 = arith.constant -0.48915571 : f32
      %parallel_loop3A_277 = vector.broadcast %parallel_loop3A_276 : f32 to vector<16xf32>
      %parallel_loop3A_278 = arith.addf %parallel_loop3A_277, %parallel_loop3A_275 : vector<16xf32>
      %parallel_loop3A_279 = arith.mulf %parallel_loop3A_264, %parallel_loop3A_278 : vector<16xf32>
      %parallel_loop3A_280 = arith.constant 0.999010205 : f32
      %parallel_loop3A_281 = vector.broadcast %parallel_loop3A_280 : f32 to vector<16xf32>
      %parallel_loop3A_282 = arith.addf %parallel_loop3A_281, %parallel_loop3A_279 : vector<16xf32>
      %parallel_loop3A_283 = arith.mulf %parallel_loop3A_264, %parallel_loop3A_282 : vector<16xf32>
      %parallel_loop3A_284 = arith.constant 2.21336595E-5 : f32
      %parallel_loop3A_285 = vector.broadcast %parallel_loop3A_284 : f32 to vector<16xf32>
      %parallel_loop3A_286 = arith.addf %parallel_loop3A_285, %parallel_loop3A_283 : vector<16xf32>
      %parallel_loop3A_287 = arith.constant 0.000000e+00 : f32
      %parallel_loop3A_288 = vector.broadcast %parallel_loop3A_287 : f32 to vector<16xf32>
      %parallel_loop3A_289 = arith.maximumf %parallel_loop3A_259, %parallel_loop3A_288 : vector<16xf32>
      %parallel_loop3A_290 = arith.addf %parallel_loop3A_289, %parallel_loop3A_286 : vector<16xf32>
      %parallel_loop3A_291 = arith.constant 0.000000e+00 : f32
      %parallel_loop3A_292 = vector.broadcast %parallel_loop3A_291 : f32 to vector<16xf32>
      %parallel_loop3A_293 = arith.cmpf oge, %parallel_loop3A_259, %parallel_loop3A_292 : vector<16xf32>
      %parallel_loop3A_294 = arith.constant 1.000000e+00 : f32
      %parallel_loop3A_295 = vector.broadcast %parallel_loop3A_294 : f32 to vector<16xf32>
      %parallel_loop3A_296 = arith.select %parallel_loop3A_293, %parallel_loop3A_295, %parallel_loop3A_264 : vector<16xi1>, vector<16xf32>
      %parallel_loop3A_297 = arith.constant 1.000000e+00 : f32
      %parallel_loop3A_298 = vector.broadcast %parallel_loop3A_297 : f32 to vector<16xf32>
      %parallel_loop3A_299 = arith.addf %parallel_loop3A_298, %parallel_loop3A_264 : vector<16xf32>
      %parallel_loop3A_300 = arith.divf %parallel_loop3A_296, %parallel_loop3A_299 : vector<16xf32>
      %parallel_loop3A_301 = arith.mulf %parallel_loop3A_300, %parallel_loop3A_300 : vector<16xf32>
      %parallel_loop3A_302 = arith.mulf %parallel_loop3A_258, %parallel_loop3A_301 : vector<16xf32>
      %parallel_loop3A_303 = arith.mulf %parallel_loop3A_302, %parallel_loop3A_290 : vector<16xf32>
      %parallel_loop3A_304 = arith.addf %parallel_loop3A_91, %parallel_loop3A_303 : vector<16xf32>
      scf.yield %parallel_loop3A_172, %parallel_loop3A_238, %parallel_loop3A_304, %parallel_loop3A_106 : vector<16xf32>, vector<16xf32>, vector<16xf32>, vector<16xf32>
    } {sc.loop_unroll_factor = 8 : i64, sc.parallel_access}
    %dma_wait3A_29 = arith.constant 0 : i32
    %dma_wait3A_30 = tpu.memref_slice %arg2[%dma_wait3A_29, %add3A_19] : memref<3x1048576xf32, #tpu.memory_space<hbm>> -> memref<3x8192xf32, #tpu.memory_space<hbm>>
    %dma_wait3A_31 = arith.constant 0 : i32
    %dma_wait3A_32 = tpu.memref_slice %arg2[%dma_wait3A_31, %add3A_19] : memref<3x1048576xf32, #tpu.memory_space<hbm>> -> memref<3x8192xf32, #tpu.memory_space<hbm>>
    tpu.wait_dma2 semaphore(%arg12 : memref<!tpu.dma_semaphore, #tpu.memory_space<semaphore_mem>>) src(%dma_wait3A_32 : memref<3x8192xf32, #tpu.memory_space<hbm>>) dst(%arg7 : memref<3x8192xf32, #tpu.memory_space<vmem>>)
    %dma_wait3A_33 = tpu.memref_slice %arg3[%add3A_19] : memref<1048576xi32, #tpu.memory_space<hbm>> -> memref<8192xi32, #tpu.memory_space<hbm>>
    %dma_wait3A_34 = tpu.memref_slice %arg3[%add3A_19] : memref<1048576xi32, #tpu.memory_space<hbm>> -> memref<8192xi32, #tpu.memory_space<hbm>>
    tpu.wait_dma2 semaphore(%arg12 : memref<!tpu.dma_semaphore, #tpu.memory_space<semaphore_mem>>) src(%dma_wait3A_34 : memref<8192xi32, #tpu.memory_space<hbm>>) dst(%arg9 : memref<8192xi32, #tpu.memory_space<vmem>>)
    %mul3A_35 = arith.constant 32768 : i32
    %mul3A_36 = arith.muli %add3A, %mul3A_35 : i32
    %add3A_37 = arith.constant 16384 : i32
    %add3A_38 = arith.addi %mul3A_36, %add3A_37 : i32
    %dma_start3A_39 = arith.constant 0 : i32
    %dma_start3A_40 = tpu.memref_slice %arg2[%dma_start3A_39, %add3A_38] : memref<3x1048576xf32, #tpu.memory_space<hbm>> -> memref<3x8192xf32, #tpu.memory_space<hbm>>
    %dma_start3A_41 = arith.constant 0 : i32
    %dma_start3A_42 = tpu.memref_slice %arg2[%dma_start3A_41, %add3A_38] : memref<3x1048576xf32, #tpu.memory_space<hbm>> -> memref<3x8192xf32, #tpu.memory_space<hbm>>
    tpu.enqueue_dma source(%dma_start3A_42 : memref<3x8192xf32, #tpu.memory_space<hbm>>) target(%arg6 : memref<3x8192xf32, #tpu.memory_space<vmem>>) target_semaphore(%arg11 : memref<!tpu.dma_semaphore, #tpu.memory_space<semaphore_mem>>)
    %dma_start3A_43 = tpu.memref_slice %arg3[%add3A_38] : memref<1048576xi32, #tpu.memory_space<hbm>> -> memref<8192xi32, #tpu.memory_space<hbm>>
    %dma_start3A_44 = tpu.memref_slice %arg3[%add3A_38] : memref<1048576xi32, #tpu.memory_space<hbm>> -> memref<8192xi32, #tpu.memory_space<hbm>>
    tpu.enqueue_dma source(%dma_start3A_44 : memref<8192xi32, #tpu.memory_space<hbm>>) target(%arg8 : memref<8192xi32, #tpu.memory_space<vmem>>) target_semaphore(%arg11 : memref<!tpu.dma_semaphore, #tpu.memory_space<semaphore_mem>>)
    %parallel_loop3A_45 = arith.constant 0 : i32
    %parallel_loop3A_46 = arith.constant 512 : i32
    %parallel_loop3A_47 = arith.constant 1 : i32
    %parallel_loop3A_48:4 = scf.for %parallel_loop3A_88 = %parallel_loop3A_45 to %parallel_loop3A_46 step %parallel_loop3A_47 iter_args(%parallel_loop3A_89 = %parallel_loop3A_28#0, %parallel_loop3A_90 = %parallel_loop3A_28#1, %parallel_loop3A_91 = %parallel_loop3A_28#2, %parallel_loop3A_92 = %parallel_loop3A_28#3) -> (vector<16xf32>, vector<16xf32>, vector<16xf32>, vector<16xf32>)  : i32 {
      %parallel_loop3A_93 = arith.constant 16 : i32
      %parallel_loop3A_94 = arith.muli %parallel_loop3A_88, %parallel_loop3A_93 : i32
      %parallel_loop3A_95 = arith.index_cast %parallel_loop3A_94 : i32 to index
      %parallel_loop3A_96 = tpu.vector_load %arg9[%parallel_loop3A_95] {strides = array<i32>} : memref<8192xi32, #tpu.memory_space<vmem>>, vector<16xi32>,
      %parallel_loop3A_97 = vector.shape_cast %parallel_loop3A_96 : vector<16xi32> to vector<16xi32>
      %parallel_loop3A_98 = arith.constant 0 : i32
      %parallel_loop3A_99 = vector.broadcast %parallel_loop3A_98 : i32 to vector<16xi32>
      %parallel_loop3A_100 = arith.cmpi sgt, %parallel_loop3A_97, %parallel_loop3A_99 : vector<16xi32>
      %parallel_loop3A_101 = arith.constant 1.000000e+00 : f32
      %parallel_loop3A_102 = arith.constant 0.000000e+00 : f32
      %parallel_loop3A_103 = vector.broadcast %parallel_loop3A_101 : f32 to vector<16xf32>
      %parallel_loop3A_104 = vector.broadcast %parallel_loop3A_102 : f32 to vector<16xf32>
      %parallel_loop3A_105 = arith.select %parallel_loop3A_100, %parallel_loop3A_103, %parallel_loop3A_104 : vector<16xi1>, vector<16xf32>
      %parallel_loop3A_106 = arith.addf %parallel_loop3A_92, %parallel_loop3A_105 : vector<16xf32>
      %parallel_loop3A_107 = arith.constant 16 : i32
      %parallel_loop3A_108 = arith.muli %parallel_loop3A_88, %parallel_loop3A_107 : i32
      %parallel_loop3A_109 = arith.constant 0 : i32
      %parallel_loop3A_110 = arith.index_cast %parallel_loop3A_109 : i32 to index
      %parallel_loop3A_111 = arith.index_cast %parallel_loop3A_108 : i32 to index
      %parallel_loop3A_112 = tpu.vector_load %arg7[%parallel_loop3A_110, %parallel_loop3A_111] {strides = array<i32>} : memref<3x8192xf32, #tpu.memory_space<vmem>>, vector<1x16xf32>,
      %parallel_loop3A_113 = vector.shape_cast %parallel_loop3A_112 : vector<1x16xf32> to vector<16xf32>
      %parallel_loop3A_114 = arith.constant 1 : i32
      %parallel_loop3A_115 = vector.broadcast %parallel_loop3A_114 : i32 to vector<16xi32>
      %parallel_loop3A_116 = arith.cmpi eq, %parallel_loop3A_97, %parallel_loop3A_115 : vector<16xi32>
      %parallel_loop3A_117 = arith.constant -1.000000e+00 : f32
      %parallel_loop3A_118 = arith.constant 1.000000e+00 : f32
      %parallel_loop3A_119 = vector.broadcast %parallel_loop3A_117 : f32 to vector<16xf32>
      %parallel_loop3A_120 = vector.broadcast %parallel_loop3A_118 : f32 to vector<16xf32>
      %parallel_loop3A_121 = arith.select %parallel_loop3A_116, %parallel_loop3A_119, %parallel_loop3A_120 : vector<16xi1>, vector<16xf32>
      %parallel_loop3A_122 = arith.constant 2.500000e-01 : f32
      %parallel_loop3A_123 = arith.constant 7.500000e-01 : f32
      %parallel_loop3A_124 = vector.broadcast %parallel_loop3A_122 : f32 to vector<16xf32>
      %parallel_loop3A_125 = vector.broadcast %parallel_loop3A_123 : f32 to vector<16xf32>
      %parallel_loop3A_126 = arith.select %parallel_loop3A_116, %parallel_loop3A_124, %parallel_loop3A_125 : vector<16xi1>, vector<16xf32>
      %parallel_loop3A_127 = arith.mulf %parallel_loop3A_113, %parallel_loop3A_121 : vector<16xf32>
      %parallel_loop3A_128 = math.absf %parallel_loop3A_113 : vector<16xf32>
      %parallel_loop3A_129 = arith.constant 0.000000e+00 : f32
      %parallel_loop3A_130 = vector.broadcast %parallel_loop3A_129 : f32 to vector<16xf32>
      %parallel_loop3A_131 = arith.subf %parallel_loop3A_130, %parallel_loop3A_128 : vector<16xf32>
      %parallel_loop3A_132 = math.exp %parallel_loop3A_131 : vector<16xf32>
      %parallel_loop3A_133 = arith.constant 0.0301022269 : f32
      %parallel_loop3A_134 = vector.broadcast %parallel_loop3A_133 : f32 to vector<16xf32>
      %parallel_loop3A_135 = arith.mulf %parallel_loop3A_132, %parallel_loop3A_134 : vector<16xf32>
      %parallel_loop3A_136 = arith.constant -0.130117849 : f32
      %parallel_loop3A_137 = vector.broadcast %parallel_loop3A_136 : f32 to vector<16xf32>
      %parallel_loop3A_138 = arith.addf %parallel_loop3A_137, %parallel_loop3A_135 : vector<16xf32>
      %parallel_loop3A_139 = arith.mulf %parallel_loop3A_132, %parallel_loop3A_138 : vector<16xf32>
      %parallel_loop3A_140 = arith.constant 0.283302277 : f32
      %parallel_loop3A_141 = vector.broadcast %parallel_loop3A_140 : f32 to vector<16xf32>
      %parallel_loop3A_142 = arith.addf %parallel_loop3A_141, %parallel_loop3A_139 : vector<16xf32>
      %parallel_loop3A_143 = arith.mulf %parallel_loop3A_132, %parallel_loop3A_142 : vector<16xf32>
      %parallel_loop3A_144 = arith.constant -0.48915571 : f32
      %parallel_loop3A_145 = vector.broadcast %parallel_loop3A_144 : f32 to vector<16xf32>
      %parallel_loop3A_146 = arith.addf %parallel_loop3A_145, %parallel_loop3A_143 : vector<16xf32>
      %parallel_loop3A_147 = arith.mulf %parallel_loop3A_132, %parallel_loop3A_146 : vector<16xf32>
      %parallel_loop3A_148 = arith.constant 0.999010205 : f32
      %parallel_loop3A_149 = vector.broadcast %parallel_loop3A_148 : f32 to vector<16xf32>
      %parallel_loop3A_150 = arith.addf %parallel_loop3A_149, %parallel_loop3A_147 : vector<16xf32>
      %parallel_loop3A_151 = arith.mulf %parallel_loop3A_132, %parallel_loop3A_150 : vector<16xf32>
      %parallel_loop3A_152 = arith.constant 2.21336595E-5 : f32
      %parallel_loop3A_153 = vector.broadcast %parallel_loop3A_152 : f32 to vector<16xf32>
      %parallel_loop3A_154 = arith.addf %parallel_loop3A_153, %parallel_loop3A_151 : vector<16xf32>
      %parallel_loop3A_155 = arith.constant 0.000000e+00 : f32
      %parallel_loop3A_156 = vector.broadcast %parallel_loop3A_155 : f32 to vector<16xf32>
      %parallel_loop3A_157 = arith.maximumf %parallel_loop3A_127, %parallel_loop3A_156 : vector<16xf32>
      %parallel_loop3A_158 = arith.addf %parallel_loop3A_157, %parallel_loop3A_154 : vector<16xf32>
      %parallel_loop3A_159 = arith.constant 0.000000e+00 : f32
      %parallel_loop3A_160 = vector.broadcast %parallel_loop3A_159 : f32 to vector<16xf32>
      %parallel_loop3A_161 = arith.cmpf oge, %parallel_loop3A_127, %parallel_loop3A_160 : vector<16xf32>
      %parallel_loop3A_162 = arith.constant 1.000000e+00 : f32
      %parallel_loop3A_163 = vector.broadcast %parallel_loop3A_162 : f32 to vector<16xf32>
      %parallel_loop3A_164 = arith.select %parallel_loop3A_161, %parallel_loop3A_163, %parallel_loop3A_132 : vector<16xi1>, vector<16xf32>
      %parallel_loop3A_165 = arith.constant 1.000000e+00 : f32
      %parallel_loop3A_166 = vector.broadcast %parallel_loop3A_165 : f32 to vector<16xf32>
      %parallel_loop3A_167 = arith.addf %parallel_loop3A_166, %parallel_loop3A_132 : vector<16xf32>
      %parallel_loop3A_168 = arith.divf %parallel_loop3A_164, %parallel_loop3A_167 : vector<16xf32>
      %parallel_loop3A_169 = arith.mulf %parallel_loop3A_168, %parallel_loop3A_168 : vector<16xf32>
      %parallel_loop3A_170 = arith.mulf %parallel_loop3A_126, %parallel_loop3A_169 : vector<16xf32>
      %parallel_loop3A_171 = arith.mulf %parallel_loop3A_170, %parallel_loop3A_158 : vector<16xf32>
      %parallel_loop3A_172 = arith.addf %parallel_loop3A_89, %parallel_loop3A_171 : vector<16xf32>
      %parallel_loop3A_173 = arith.constant 16 : i32
      %parallel_loop3A_174 = arith.muli %parallel_loop3A_88, %parallel_loop3A_173 : i32
      %parallel_loop3A_175 = arith.constant 1 : i32
      %parallel_loop3A_176 = arith.index_cast %parallel_loop3A_175 : i32 to index
      %parallel_loop3A_177 = arith.index_cast %parallel_loop3A_174 : i32 to index
      %parallel_loop3A_178 = tpu.vector_load %arg7[%parallel_loop3A_176, %parallel_loop3A_177] {strides = array<i32>} : memref<3x8192xf32, #tpu.memory_space<vmem>>, vector<1x16xf32>,
      %parallel_loop3A_179 = vector.shape_cast %parallel_loop3A_178 : vector<1x16xf32> to vector<16xf32>
      %parallel_loop3A_180 = arith.constant 2 : i32
      %parallel_loop3A_181 = vector.broadcast %parallel_loop3A_180 : i32 to vector<16xi32>
      %parallel_loop3A_182 = arith.cmpi eq, %parallel_loop3A_97, %parallel_loop3A_181 : vector<16xi32>
      %parallel_loop3A_183 = arith.constant -1.000000e+00 : f32
      %parallel_loop3A_184 = arith.constant 1.000000e+00 : f32
      %parallel_loop3A_185 = vector.broadcast %parallel_loop3A_183 : f32 to vector<16xf32>
      %parallel_loop3A_186 = vector.broadcast %parallel_loop3A_184 : f32 to vector<16xf32>
      %parallel_loop3A_187 = arith.select %parallel_loop3A_182, %parallel_loop3A_185, %parallel_loop3A_186 : vector<16xi1>, vector<16xf32>
      %parallel_loop3A_188 = arith.constant 2.500000e-01 : f32
      %parallel_loop3A_189 = arith.constant 7.500000e-01 : f32
      %parallel_loop3A_190 = vector.broadcast %parallel_loop3A_188 : f32 to vector<16xf32>
      %parallel_loop3A_191 = vector.broadcast %parallel_loop3A_189 : f32 to vector<16xf32>
      %parallel_loop3A_192 = arith.select %parallel_loop3A_182, %parallel_loop3A_190, %parallel_loop3A_191 : vector<16xi1>, vector<16xf32>
      %parallel_loop3A_193 = arith.mulf %parallel_loop3A_179, %parallel_loop3A_187 : vector<16xf32>
      %parallel_loop3A_194 = math.absf %parallel_loop3A_179 : vector<16xf32>
      %parallel_loop3A_195 = arith.constant 0.000000e+00 : f32
      %parallel_loop3A_196 = vector.broadcast %parallel_loop3A_195 : f32 to vector<16xf32>
      %parallel_loop3A_197 = arith.subf %parallel_loop3A_196, %parallel_loop3A_194 : vector<16xf32>
      %parallel_loop3A_198 = math.exp %parallel_loop3A_197 : vector<16xf32>
      %parallel_loop3A_199 = arith.constant 0.0301022269 : f32
      %parallel_loop3A_200 = vector.broadcast %parallel_loop3A_199 : f32 to vector<16xf32>
      %parallel_loop3A_201 = arith.mulf %parallel_loop3A_198, %parallel_loop3A_200 : vector<16xf32>
      %parallel_loop3A_202 = arith.constant -0.130117849 : f32
      %parallel_loop3A_203 = vector.broadcast %parallel_loop3A_202 : f32 to vector<16xf32>
      %parallel_loop3A_204 = arith.addf %parallel_loop3A_203, %parallel_loop3A_201 : vector<16xf32>
      %parallel_loop3A_205 = arith.mulf %parallel_loop3A_198, %parallel_loop3A_204 : vector<16xf32>
      %parallel_loop3A_206 = arith.constant 0.283302277 : f32
      %parallel_loop3A_207 = vector.broadcast %parallel_loop3A_206 : f32 to vector<16xf32>
      %parallel_loop3A_208 = arith.addf %parallel_loop3A_207, %parallel_loop3A_205 : vector<16xf32>
      %parallel_loop3A_209 = arith.mulf %parallel_loop3A_198, %parallel_loop3A_208 : vector<16xf32>
      %parallel_loop3A_210 = arith.constant -0.48915571 : f32
      %parallel_loop3A_211 = vector.broadcast %parallel_loop3A_210 : f32 to vector<16xf32>
      %parallel_loop3A_212 = arith.addf %parallel_loop3A_211, %parallel_loop3A_209 : vector<16xf32>
      %parallel_loop3A_213 = arith.mulf %parallel_loop3A_198, %parallel_loop3A_212 : vector<16xf32>
      %parallel_loop3A_214 = arith.constant 0.999010205 : f32
      %parallel_loop3A_215 = vector.broadcast %parallel_loop3A_214 : f32 to vector<16xf32>
      %parallel_loop3A_216 = arith.addf %parallel_loop3A_215, %parallel_loop3A_213 : vector<16xf32>
      %parallel_loop3A_217 = arith.mulf %parallel_loop3A_198, %parallel_loop3A_216 : vector<16xf32>
      %parallel_loop3A_218 = arith.constant 2.21336595E-5 : f32
      %parallel_loop3A_219 = vector.broadcast %parallel_loop3A_218 : f32 to vector<16xf32>
      %parallel_loop3A_220 = arith.addf %parallel_loop3A_219, %parallel_loop3A_217 : vector<16xf32>
      %parallel_loop3A_221 = arith.constant 0.000000e+00 : f32
      %parallel_loop3A_222 = vector.broadcast %parallel_loop3A_221 : f32 to vector<16xf32>
      %parallel_loop3A_223 = arith.maximumf %parallel_loop3A_193, %parallel_loop3A_222 : vector<16xf32>
      %parallel_loop3A_224 = arith.addf %parallel_loop3A_223, %parallel_loop3A_220 : vector<16xf32>
      %parallel_loop3A_225 = arith.constant 0.000000e+00 : f32
      %parallel_loop3A_226 = vector.broadcast %parallel_loop3A_225 : f32 to vector<16xf32>
      %parallel_loop3A_227 = arith.cmpf oge, %parallel_loop3A_193, %parallel_loop3A_226 : vector<16xf32>
      %parallel_loop3A_228 = arith.constant 1.000000e+00 : f32
      %parallel_loop3A_229 = vector.broadcast %parallel_loop3A_228 : f32 to vector<16xf32>
      %parallel_loop3A_230 = arith.select %parallel_loop3A_227, %parallel_loop3A_229, %parallel_loop3A_198 : vector<16xi1>, vector<16xf32>
      %parallel_loop3A_231 = arith.constant 1.000000e+00 : f32
      %parallel_loop3A_232 = vector.broadcast %parallel_loop3A_231 : f32 to vector<16xf32>
      %parallel_loop3A_233 = arith.addf %parallel_loop3A_232, %parallel_loop3A_198 : vector<16xf32>
      %parallel_loop3A_234 = arith.divf %parallel_loop3A_230, %parallel_loop3A_233 : vector<16xf32>
      %parallel_loop3A_235 = arith.mulf %parallel_loop3A_234, %parallel_loop3A_234 : vector<16xf32>
      %parallel_loop3A_236 = arith.mulf %parallel_loop3A_192, %parallel_loop3A_235 : vector<16xf32>
      %parallel_loop3A_237 = arith.mulf %parallel_loop3A_236, %parallel_loop3A_224 : vector<16xf32>
      %parallel_loop3A_238 = arith.addf %parallel_loop3A_90, %parallel_loop3A_237 : vector<16xf32>
      %parallel_loop3A_239 = arith.constant 16 : i32
      %parallel_loop3A_240 = arith.muli %parallel_loop3A_88, %parallel_loop3A_239 : i32
      %parallel_loop3A_241 = arith.constant 2 : i32
      %parallel_loop3A_242 = arith.index_cast %parallel_loop3A_241 : i32 to index
      %parallel_loop3A_243 = arith.index_cast %parallel_loop3A_240 : i32 to index
      %parallel_loop3A_244 = tpu.vector_load %arg7[%parallel_loop3A_242, %parallel_loop3A_243] {strides = array<i32>} : memref<3x8192xf32, #tpu.memory_space<vmem>>, vector<1x16xf32>,
      %parallel_loop3A_245 = vector.shape_cast %parallel_loop3A_244 : vector<1x16xf32> to vector<16xf32>
      %parallel_loop3A_246 = arith.constant 3 : i32
      %parallel_loop3A_247 = vector.broadcast %parallel_loop3A_246 : i32 to vector<16xi32>
      %parallel_loop3A_248 = arith.cmpi eq, %parallel_loop3A_97, %parallel_loop3A_247 : vector<16xi32>
      %parallel_loop3A_249 = arith.constant -1.000000e+00 : f32
      %parallel_loop3A_250 = arith.constant 1.000000e+00 : f32
      %parallel_loop3A_251 = vector.broadcast %parallel_loop3A_249 : f32 to vector<16xf32>
      %parallel_loop3A_252 = vector.broadcast %parallel_loop3A_250 : f32 to vector<16xf32>
      %parallel_loop3A_253 = arith.select %parallel_loop3A_248, %parallel_loop3A_251, %parallel_loop3A_252 : vector<16xi1>, vector<16xf32>
      %parallel_loop3A_254 = arith.constant 2.500000e-01 : f32
      %parallel_loop3A_255 = arith.constant 7.500000e-01 : f32
      %parallel_loop3A_256 = vector.broadcast %parallel_loop3A_254 : f32 to vector<16xf32>
      %parallel_loop3A_257 = vector.broadcast %parallel_loop3A_255 : f32 to vector<16xf32>
      %parallel_loop3A_258 = arith.select %parallel_loop3A_248, %parallel_loop3A_256, %parallel_loop3A_257 : vector<16xi1>, vector<16xf32>
      %parallel_loop3A_259 = arith.mulf %parallel_loop3A_245, %parallel_loop3A_253 : vector<16xf32>
      %parallel_loop3A_260 = math.absf %parallel_loop3A_245 : vector<16xf32>
      %parallel_loop3A_261 = arith.constant 0.000000e+00 : f32
      %parallel_loop3A_262 = vector.broadcast %parallel_loop3A_261 : f32 to vector<16xf32>
      %parallel_loop3A_263 = arith.subf %parallel_loop3A_262, %parallel_loop3A_260 : vector<16xf32>
      %parallel_loop3A_264 = math.exp %parallel_loop3A_263 : vector<16xf32>
      %parallel_loop3A_265 = arith.constant 0.0301022269 : f32
      %parallel_loop3A_266 = vector.broadcast %parallel_loop3A_265 : f32 to vector<16xf32>
      %parallel_loop3A_267 = arith.mulf %parallel_loop3A_264, %parallel_loop3A_266 : vector<16xf32>
      %parallel_loop3A_268 = arith.constant -0.130117849 : f32
      %parallel_loop3A_269 = vector.broadcast %parallel_loop3A_268 : f32 to vector<16xf32>
      %parallel_loop3A_270 = arith.addf %parallel_loop3A_269, %parallel_loop3A_267 : vector<16xf32>
      %parallel_loop3A_271 = arith.mulf %parallel_loop3A_264, %parallel_loop3A_270 : vector<16xf32>
      %parallel_loop3A_272 = arith.constant 0.283302277 : f32
      %parallel_loop3A_273 = vector.broadcast %parallel_loop3A_272 : f32 to vector<16xf32>
      %parallel_loop3A_274 = arith.addf %parallel_loop3A_273, %parallel_loop3A_271 : vector<16xf32>
      %parallel_loop3A_275 = arith.mulf %parallel_loop3A_264, %parallel_loop3A_274 : vector<16xf32>
      %parallel_loop3A_276 = arith.constant -0.48915571 : f32
      %parallel_loop3A_277 = vector.broadcast %parallel_loop3A_276 : f32 to vector<16xf32>
      %parallel_loop3A_278 = arith.addf %parallel_loop3A_277, %parallel_loop3A_275 : vector<16xf32>
      %parallel_loop3A_279 = arith.mulf %parallel_loop3A_264, %parallel_loop3A_278 : vector<16xf32>
      %parallel_loop3A_280 = arith.constant 0.999010205 : f32
      %parallel_loop3A_281 = vector.broadcast %parallel_loop3A_280 : f32 to vector<16xf32>
      %parallel_loop3A_282 = arith.addf %parallel_loop3A_281, %parallel_loop3A_279 : vector<16xf32>
      %parallel_loop3A_283 = arith.mulf %parallel_loop3A_264, %parallel_loop3A_282 : vector<16xf32>
      %parallel_loop3A_284 = arith.constant 2.21336595E-5 : f32
      %parallel_loop3A_285 = vector.broadcast %parallel_loop3A_284 : f32 to vector<16xf32>
      %parallel_loop3A_286 = arith.addf %parallel_loop3A_285, %parallel_loop3A_283 : vector<16xf32>
      %parallel_loop3A_287 = arith.constant 0.000000e+00 : f32
      %parallel_loop3A_288 = vector.broadcast %parallel_loop3A_287 : f32 to vector<16xf32>
      %parallel_loop3A_289 = arith.maximumf %parallel_loop3A_259, %parallel_loop3A_288 : vector<16xf32>
      %parallel_loop3A_290 = arith.addf %parallel_loop3A_289, %parallel_loop3A_286 : vector<16xf32>
      %parallel_loop3A_291 = arith.constant 0.000000e+00 : f32
      %parallel_loop3A_292 = vector.broadcast %parallel_loop3A_291 : f32 to vector<16xf32>
      %parallel_loop3A_293 = arith.cmpf oge, %parallel_loop3A_259, %parallel_loop3A_292 : vector<16xf32>
      %parallel_loop3A_294 = arith.constant 1.000000e+00 : f32
      %parallel_loop3A_295 = vector.broadcast %parallel_loop3A_294 : f32 to vector<16xf32>
      %parallel_loop3A_296 = arith.select %parallel_loop3A_293, %parallel_loop3A_295, %parallel_loop3A_264 : vector<16xi1>, vector<16xf32>
      %parallel_loop3A_297 = arith.constant 1.000000e+00 : f32
      %parallel_loop3A_298 = vector.broadcast %parallel_loop3A_297 : f32 to vector<16xf32>
      %parallel_loop3A_299 = arith.addf %parallel_loop3A_298, %parallel_loop3A_264 : vector<16xf32>
      %parallel_loop3A_300 = arith.divf %parallel_loop3A_296, %parallel_loop3A_299 : vector<16xf32>
      %parallel_loop3A_301 = arith.mulf %parallel_loop3A_300, %parallel_loop3A_300 : vector<16xf32>
      %parallel_loop3A_302 = arith.mulf %parallel_loop3A_258, %parallel_loop3A_301 : vector<16xf32>
      %parallel_loop3A_303 = arith.mulf %parallel_loop3A_302, %parallel_loop3A_290 : vector<16xf32>
      %parallel_loop3A_304 = arith.addf %parallel_loop3A_91, %parallel_loop3A_303 : vector<16xf32>
      scf.yield %parallel_loop3A_172, %parallel_loop3A_238, %parallel_loop3A_304, %parallel_loop3A_106 : vector<16xf32>, vector<16xf32>, vector<16xf32>, vector<16xf32>
    } {sc.loop_unroll_factor = 8 : i64, sc.parallel_access}
    %dma_wait3A_49 = arith.constant 0 : i32
    %dma_wait3A_50 = tpu.memref_slice %arg2[%dma_wait3A_49, %add3A_38] : memref<3x1048576xf32, #tpu.memory_space<hbm>> -> memref<3x8192xf32, #tpu.memory_space<hbm>>
    %dma_wait3A_51 = arith.constant 0 : i32
    %dma_wait3A_52 = tpu.memref_slice %arg2[%dma_wait3A_51, %add3A_38] : memref<3x1048576xf32, #tpu.memory_space<hbm>> -> memref<3x8192xf32, #tpu.memory_space<hbm>>
    tpu.wait_dma2 semaphore(%arg11 : memref<!tpu.dma_semaphore, #tpu.memory_space<semaphore_mem>>) src(%dma_wait3A_52 : memref<3x8192xf32, #tpu.memory_space<hbm>>) dst(%arg6 : memref<3x8192xf32, #tpu.memory_space<vmem>>)
    %dma_wait3A_53 = tpu.memref_slice %arg3[%add3A_38] : memref<1048576xi32, #tpu.memory_space<hbm>> -> memref<8192xi32, #tpu.memory_space<hbm>>
    %dma_wait3A_54 = tpu.memref_slice %arg3[%add3A_38] : memref<1048576xi32, #tpu.memory_space<hbm>> -> memref<8192xi32, #tpu.memory_space<hbm>>
    tpu.wait_dma2 semaphore(%arg11 : memref<!tpu.dma_semaphore, #tpu.memory_space<semaphore_mem>>) src(%dma_wait3A_54 : memref<8192xi32, #tpu.memory_space<hbm>>) dst(%arg8 : memref<8192xi32, #tpu.memory_space<vmem>>)
    %mul3A_55 = arith.constant 32768 : i32
    %mul3A_56 = arith.muli %add3A, %mul3A_55 : i32
    %add3A_57 = arith.constant 24576 : i32
    %add3A_58 = arith.addi %mul3A_56, %add3A_57 : i32
    %dma_start3A_59 = arith.constant 0 : i32
    %dma_start3A_60 = tpu.memref_slice %arg2[%dma_start3A_59, %add3A_58] : memref<3x1048576xf32, #tpu.memory_space<hbm>> -> memref<3x8192xf32, #tpu.memory_space<hbm>>
    %dma_start3A_61 = arith.constant 0 : i32
    %dma_start3A_62 = tpu.memref_slice %arg2[%dma_start3A_61, %add3A_58] : memref<3x1048576xf32, #tpu.memory_space<hbm>> -> memref<3x8192xf32, #tpu.memory_space<hbm>>
    tpu.enqueue_dma source(%dma_start3A_62 : memref<3x8192xf32, #tpu.memory_space<hbm>>) target(%arg7 : memref<3x8192xf32, #tpu.memory_space<vmem>>) target_semaphore(%arg12 : memref<!tpu.dma_semaphore, #tpu.memory_space<semaphore_mem>>)
    %dma_start3A_63 = tpu.memref_slice %arg3[%add3A_58] : memref<1048576xi32, #tpu.memory_space<hbm>> -> memref<8192xi32, #tpu.memory_space<hbm>>
    %dma_start3A_64 = tpu.memref_slice %arg3[%add3A_58] : memref<1048576xi32, #tpu.memory_space<hbm>> -> memref<8192xi32, #tpu.memory_space<hbm>>
    tpu.enqueue_dma source(%dma_start3A_64 : memref<8192xi32, #tpu.memory_space<hbm>>) target(%arg9 : memref<8192xi32, #tpu.memory_space<vmem>>) target_semaphore(%arg12 : memref<!tpu.dma_semaphore, #tpu.memory_space<semaphore_mem>>)
    %parallel_loop3A_65 = arith.constant 0 : i32
    %parallel_loop3A_66 = arith.constant 512 : i32
    %parallel_loop3A_67 = arith.constant 1 : i32
    %parallel_loop3A_68:4 = scf.for %parallel_loop3A_88 = %parallel_loop3A_65 to %parallel_loop3A_66 step %parallel_loop3A_67 iter_args(%parallel_loop3A_89 = %parallel_loop3A_48#0, %parallel_loop3A_90 = %parallel_loop3A_48#1, %parallel_loop3A_91 = %parallel_loop3A_48#2, %parallel_loop3A_92 = %parallel_loop3A_48#3) -> (vector<16xf32>, vector<16xf32>, vector<16xf32>, vector<16xf32>)  : i32 {
      %parallel_loop3A_93 = arith.constant 16 : i32
      %parallel_loop3A_94 = arith.muli %parallel_loop3A_88, %parallel_loop3A_93 : i32
      %parallel_loop3A_95 = arith.index_cast %parallel_loop3A_94 : i32 to index
      %parallel_loop3A_96 = tpu.vector_load %arg8[%parallel_loop3A_95] {strides = array<i32>} : memref<8192xi32, #tpu.memory_space<vmem>>, vector<16xi32>,
      %parallel_loop3A_97 = vector.shape_cast %parallel_loop3A_96 : vector<16xi32> to vector<16xi32>
      %parallel_loop3A_98 = arith.constant 0 : i32
      %parallel_loop3A_99 = vector.broadcast %parallel_loop3A_98 : i32 to vector<16xi32>
      %parallel_loop3A_100 = arith.cmpi sgt, %parallel_loop3A_97, %parallel_loop3A_99 : vector<16xi32>
      %parallel_loop3A_101 = arith.constant 1.000000e+00 : f32
      %parallel_loop3A_102 = arith.constant 0.000000e+00 : f32
      %parallel_loop3A_103 = vector.broadcast %parallel_loop3A_101 : f32 to vector<16xf32>
      %parallel_loop3A_104 = vector.broadcast %parallel_loop3A_102 : f32 to vector<16xf32>
      %parallel_loop3A_105 = arith.select %parallel_loop3A_100, %parallel_loop3A_103, %parallel_loop3A_104 : vector<16xi1>, vector<16xf32>
      %parallel_loop3A_106 = arith.addf %parallel_loop3A_92, %parallel_loop3A_105 : vector<16xf32>
      %parallel_loop3A_107 = arith.constant 16 : i32
      %parallel_loop3A_108 = arith.muli %parallel_loop3A_88, %parallel_loop3A_107 : i32
      %parallel_loop3A_109 = arith.constant 0 : i32
      %parallel_loop3A_110 = arith.index_cast %parallel_loop3A_109 : i32 to index
      %parallel_loop3A_111 = arith.index_cast %parallel_loop3A_108 : i32 to index
      %parallel_loop3A_112 = tpu.vector_load %arg6[%parallel_loop3A_110, %parallel_loop3A_111] {strides = array<i32>} : memref<3x8192xf32, #tpu.memory_space<vmem>>, vector<1x16xf32>,
      %parallel_loop3A_113 = vector.shape_cast %parallel_loop3A_112 : vector<1x16xf32> to vector<16xf32>
      %parallel_loop3A_114 = arith.constant 1 : i32
      %parallel_loop3A_115 = vector.broadcast %parallel_loop3A_114 : i32 to vector<16xi32>
      %parallel_loop3A_116 = arith.cmpi eq, %parallel_loop3A_97, %parallel_loop3A_115 : vector<16xi32>
      %parallel_loop3A_117 = arith.constant -1.000000e+00 : f32
      %parallel_loop3A_118 = arith.constant 1.000000e+00 : f32
      %parallel_loop3A_119 = vector.broadcast %parallel_loop3A_117 : f32 to vector<16xf32>
      %parallel_loop3A_120 = vector.broadcast %parallel_loop3A_118 : f32 to vector<16xf32>
      %parallel_loop3A_121 = arith.select %parallel_loop3A_116, %parallel_loop3A_119, %parallel_loop3A_120 : vector<16xi1>, vector<16xf32>
      %parallel_loop3A_122 = arith.constant 2.500000e-01 : f32
      %parallel_loop3A_123 = arith.constant 7.500000e-01 : f32
      %parallel_loop3A_124 = vector.broadcast %parallel_loop3A_122 : f32 to vector<16xf32>
      %parallel_loop3A_125 = vector.broadcast %parallel_loop3A_123 : f32 to vector<16xf32>
      %parallel_loop3A_126 = arith.select %parallel_loop3A_116, %parallel_loop3A_124, %parallel_loop3A_125 : vector<16xi1>, vector<16xf32>
      %parallel_loop3A_127 = arith.mulf %parallel_loop3A_113, %parallel_loop3A_121 : vector<16xf32>
      %parallel_loop3A_128 = math.absf %parallel_loop3A_113 : vector<16xf32>
      %parallel_loop3A_129 = arith.constant 0.000000e+00 : f32
      %parallel_loop3A_130 = vector.broadcast %parallel_loop3A_129 : f32 to vector<16xf32>
      %parallel_loop3A_131 = arith.subf %parallel_loop3A_130, %parallel_loop3A_128 : vector<16xf32>
      %parallel_loop3A_132 = math.exp %parallel_loop3A_131 : vector<16xf32>
      %parallel_loop3A_133 = arith.constant 0.0301022269 : f32
      %parallel_loop3A_134 = vector.broadcast %parallel_loop3A_133 : f32 to vector<16xf32>
      %parallel_loop3A_135 = arith.mulf %parallel_loop3A_132, %parallel_loop3A_134 : vector<16xf32>
      %parallel_loop3A_136 = arith.constant -0.130117849 : f32
      %parallel_loop3A_137 = vector.broadcast %parallel_loop3A_136 : f32 to vector<16xf32>
      %parallel_loop3A_138 = arith.addf %parallel_loop3A_137, %parallel_loop3A_135 : vector<16xf32>
      %parallel_loop3A_139 = arith.mulf %parallel_loop3A_132, %parallel_loop3A_138 : vector<16xf32>
      %parallel_loop3A_140 = arith.constant 0.283302277 : f32
      %parallel_loop3A_141 = vector.broadcast %parallel_loop3A_140 : f32 to vector<16xf32>
      %parallel_loop3A_142 = arith.addf %parallel_loop3A_141, %parallel_loop3A_139 : vector<16xf32>
      %parallel_loop3A_143 = arith.mulf %parallel_loop3A_132, %parallel_loop3A_142 : vector<16xf32>
      %parallel_loop3A_144 = arith.constant -0.48915571 : f32
      %parallel_loop3A_145 = vector.broadcast %parallel_loop3A_144 : f32 to vector<16xf32>
      %parallel_loop3A_146 = arith.addf %parallel_loop3A_145, %parallel_loop3A_143 : vector<16xf32>
      %parallel_loop3A_147 = arith.mulf %parallel_loop3A_132, %parallel_loop3A_146 : vector<16xf32>
      %parallel_loop3A_148 = arith.constant 0.999010205 : f32
      %parallel_loop3A_149 = vector.broadcast %parallel_loop3A_148 : f32 to vector<16xf32>
      %parallel_loop3A_150 = arith.addf %parallel_loop3A_149, %parallel_loop3A_147 : vector<16xf32>
      %parallel_loop3A_151 = arith.mulf %parallel_loop3A_132, %parallel_loop3A_150 : vector<16xf32>
      %parallel_loop3A_152 = arith.constant 2.21336595E-5 : f32
      %parallel_loop3A_153 = vector.broadcast %parallel_loop3A_152 : f32 to vector<16xf32>
      %parallel_loop3A_154 = arith.addf %parallel_loop3A_153, %parallel_loop3A_151 : vector<16xf32>
      %parallel_loop3A_155 = arith.constant 0.000000e+00 : f32
      %parallel_loop3A_156 = vector.broadcast %parallel_loop3A_155 : f32 to vector<16xf32>
      %parallel_loop3A_157 = arith.maximumf %parallel_loop3A_127, %parallel_loop3A_156 : vector<16xf32>
      %parallel_loop3A_158 = arith.addf %parallel_loop3A_157, %parallel_loop3A_154 : vector<16xf32>
      %parallel_loop3A_159 = arith.constant 0.000000e+00 : f32
      %parallel_loop3A_160 = vector.broadcast %parallel_loop3A_159 : f32 to vector<16xf32>
      %parallel_loop3A_161 = arith.cmpf oge, %parallel_loop3A_127, %parallel_loop3A_160 : vector<16xf32>
      %parallel_loop3A_162 = arith.constant 1.000000e+00 : f32
      %parallel_loop3A_163 = vector.broadcast %parallel_loop3A_162 : f32 to vector<16xf32>
      %parallel_loop3A_164 = arith.select %parallel_loop3A_161, %parallel_loop3A_163, %parallel_loop3A_132 : vector<16xi1>, vector<16xf32>
      %parallel_loop3A_165 = arith.constant 1.000000e+00 : f32
      %parallel_loop3A_166 = vector.broadcast %parallel_loop3A_165 : f32 to vector<16xf32>
      %parallel_loop3A_167 = arith.addf %parallel_loop3A_166, %parallel_loop3A_132 : vector<16xf32>
      %parallel_loop3A_168 = arith.divf %parallel_loop3A_164, %parallel_loop3A_167 : vector<16xf32>
      %parallel_loop3A_169 = arith.mulf %parallel_loop3A_168, %parallel_loop3A_168 : vector<16xf32>
      %parallel_loop3A_170 = arith.mulf %parallel_loop3A_126, %parallel_loop3A_169 : vector<16xf32>
      %parallel_loop3A_171 = arith.mulf %parallel_loop3A_170, %parallel_loop3A_158 : vector<16xf32>
      %parallel_loop3A_172 = arith.addf %parallel_loop3A_89, %parallel_loop3A_171 : vector<16xf32>
      %parallel_loop3A_173 = arith.constant 16 : i32
      %parallel_loop3A_174 = arith.muli %parallel_loop3A_88, %parallel_loop3A_173 : i32
      %parallel_loop3A_175 = arith.constant 1 : i32
      %parallel_loop3A_176 = arith.index_cast %parallel_loop3A_175 : i32 to index
      %parallel_loop3A_177 = arith.index_cast %parallel_loop3A_174 : i32 to index
      %parallel_loop3A_178 = tpu.vector_load %arg6[%parallel_loop3A_176, %parallel_loop3A_177] {strides = array<i32>} : memref<3x8192xf32, #tpu.memory_space<vmem>>, vector<1x16xf32>,
      %parallel_loop3A_179 = vector.shape_cast %parallel_loop3A_178 : vector<1x16xf32> to vector<16xf32>
      %parallel_loop3A_180 = arith.constant 2 : i32
      %parallel_loop3A_181 = vector.broadcast %parallel_loop3A_180 : i32 to vector<16xi32>
      %parallel_loop3A_182 = arith.cmpi eq, %parallel_loop3A_97, %parallel_loop3A_181 : vector<16xi32>
      %parallel_loop3A_183 = arith.constant -1.000000e+00 : f32
      %parallel_loop3A_184 = arith.constant 1.000000e+00 : f32
      %parallel_loop3A_185 = vector.broadcast %parallel_loop3A_183 : f32 to vector<16xf32>
      %parallel_loop3A_186 = vector.broadcast %parallel_loop3A_184 : f32 to vector<16xf32>
      %parallel_loop3A_187 = arith.select %parallel_loop3A_182, %parallel_loop3A_185, %parallel_loop3A_186 : vector<16xi1>, vector<16xf32>
      %parallel_loop3A_188 = arith.constant 2.500000e-01 : f32
      %parallel_loop3A_189 = arith.constant 7.500000e-01 : f32
      %parallel_loop3A_190 = vector.broadcast %parallel_loop3A_188 : f32 to vector<16xf32>
      %parallel_loop3A_191 = vector.broadcast %parallel_loop3A_189 : f32 to vector<16xf32>
      %parallel_loop3A_192 = arith.select %parallel_loop3A_182, %parallel_loop3A_190, %parallel_loop3A_191 : vector<16xi1>, vector<16xf32>
      %parallel_loop3A_193 = arith.mulf %parallel_loop3A_179, %parallel_loop3A_187 : vector<16xf32>
      %parallel_loop3A_194 = math.absf %parallel_loop3A_179 : vector<16xf32>
      %parallel_loop3A_195 = arith.constant 0.000000e+00 : f32
      %parallel_loop3A_196 = vector.broadcast %parallel_loop3A_195 : f32 to vector<16xf32>
      %parallel_loop3A_197 = arith.subf %parallel_loop3A_196, %parallel_loop3A_194 : vector<16xf32>
      %parallel_loop3A_198 = math.exp %parallel_loop3A_197 : vector<16xf32>
      %parallel_loop3A_199 = arith.constant 0.0301022269 : f32
      %parallel_loop3A_200 = vector.broadcast %parallel_loop3A_199 : f32 to vector<16xf32>
      %parallel_loop3A_201 = arith.mulf %parallel_loop3A_198, %parallel_loop3A_200 : vector<16xf32>
      %parallel_loop3A_202 = arith.constant -0.130117849 : f32
      %parallel_loop3A_203 = vector.broadcast %parallel_loop3A_202 : f32 to vector<16xf32>
      %parallel_loop3A_204 = arith.addf %parallel_loop3A_203, %parallel_loop3A_201 : vector<16xf32>
      %parallel_loop3A_205 = arith.mulf %parallel_loop3A_198, %parallel_loop3A_204 : vector<16xf32>
      %parallel_loop3A_206 = arith.constant 0.283302277 : f32
      %parallel_loop3A_207 = vector.broadcast %parallel_loop3A_206 : f32 to vector<16xf32>
      %parallel_loop3A_208 = arith.addf %parallel_loop3A_207, %parallel_loop3A_205 : vector<16xf32>
      %parallel_loop3A_209 = arith.mulf %parallel_loop3A_198, %parallel_loop3A_208 : vector<16xf32>
      %parallel_loop3A_210 = arith.constant -0.48915571 : f32
      %parallel_loop3A_211 = vector.broadcast %parallel_loop3A_210 : f32 to vector<16xf32>
      %parallel_loop3A_212 = arith.addf %parallel_loop3A_211, %parallel_loop3A_209 : vector<16xf32>
      %parallel_loop3A_213 = arith.mulf %parallel_loop3A_198, %parallel_loop3A_212 : vector<16xf32>
      %parallel_loop3A_214 = arith.constant 0.999010205 : f32
      %parallel_loop3A_215 = vector.broadcast %parallel_loop3A_214 : f32 to vector<16xf32>
      %parallel_loop3A_216 = arith.addf %parallel_loop3A_215, %parallel_loop3A_213 : vector<16xf32>
      %parallel_loop3A_217 = arith.mulf %parallel_loop3A_198, %parallel_loop3A_216 : vector<16xf32>
      %parallel_loop3A_218 = arith.constant 2.21336595E-5 : f32
      %parallel_loop3A_219 = vector.broadcast %parallel_loop3A_218 : f32 to vector<16xf32>
      %parallel_loop3A_220 = arith.addf %parallel_loop3A_219, %parallel_loop3A_217 : vector<16xf32>
      %parallel_loop3A_221 = arith.constant 0.000000e+00 : f32
      %parallel_loop3A_222 = vector.broadcast %parallel_loop3A_221 : f32 to vector<16xf32>
      %parallel_loop3A_223 = arith.maximumf %parallel_loop3A_193, %parallel_loop3A_222 : vector<16xf32>
      %parallel_loop3A_224 = arith.addf %parallel_loop3A_223, %parallel_loop3A_220 : vector<16xf32>
      %parallel_loop3A_225 = arith.constant 0.000000e+00 : f32
      %parallel_loop3A_226 = vector.broadcast %parallel_loop3A_225 : f32 to vector<16xf32>
      %parallel_loop3A_227 = arith.cmpf oge, %parallel_loop3A_193, %parallel_loop3A_226 : vector<16xf32>
      %parallel_loop3A_228 = arith.constant 1.000000e+00 : f32
      %parallel_loop3A_229 = vector.broadcast %parallel_loop3A_228 : f32 to vector<16xf32>
      %parallel_loop3A_230 = arith.select %parallel_loop3A_227, %parallel_loop3A_229, %parallel_loop3A_198 : vector<16xi1>, vector<16xf32>
      %parallel_loop3A_231 = arith.constant 1.000000e+00 : f32
      %parallel_loop3A_232 = vector.broadcast %parallel_loop3A_231 : f32 to vector<16xf32>
      %parallel_loop3A_233 = arith.addf %parallel_loop3A_232, %parallel_loop3A_198 : vector<16xf32>
      %parallel_loop3A_234 = arith.divf %parallel_loop3A_230, %parallel_loop3A_233 : vector<16xf32>
      %parallel_loop3A_235 = arith.mulf %parallel_loop3A_234, %parallel_loop3A_234 : vector<16xf32>
      %parallel_loop3A_236 = arith.mulf %parallel_loop3A_192, %parallel_loop3A_235 : vector<16xf32>
      %parallel_loop3A_237 = arith.mulf %parallel_loop3A_236, %parallel_loop3A_224 : vector<16xf32>
      %parallel_loop3A_238 = arith.addf %parallel_loop3A_90, %parallel_loop3A_237 : vector<16xf32>
      %parallel_loop3A_239 = arith.constant 16 : i32
      %parallel_loop3A_240 = arith.muli %parallel_loop3A_88, %parallel_loop3A_239 : i32
      %parallel_loop3A_241 = arith.constant 2 : i32
      %parallel_loop3A_242 = arith.index_cast %parallel_loop3A_241 : i32 to index
      %parallel_loop3A_243 = arith.index_cast %parallel_loop3A_240 : i32 to index
      %parallel_loop3A_244 = tpu.vector_load %arg6[%parallel_loop3A_242, %parallel_loop3A_243] {strides = array<i32>} : memref<3x8192xf32, #tpu.memory_space<vmem>>, vector<1x16xf32>,
      %parallel_loop3A_245 = vector.shape_cast %parallel_loop3A_244 : vector<1x16xf32> to vector<16xf32>
      %parallel_loop3A_246 = arith.constant 3 : i32
      %parallel_loop3A_247 = vector.broadcast %parallel_loop3A_246 : i32 to vector<16xi32>
      %parallel_loop3A_248 = arith.cmpi eq, %parallel_loop3A_97, %parallel_loop3A_247 : vector<16xi32>
      %parallel_loop3A_249 = arith.constant -1.000000e+00 : f32
      %parallel_loop3A_250 = arith.constant 1.000000e+00 : f32
      %parallel_loop3A_251 = vector.broadcast %parallel_loop3A_249 : f32 to vector<16xf32>
      %parallel_loop3A_252 = vector.broadcast %parallel_loop3A_250 : f32 to vector<16xf32>
      %parallel_loop3A_253 = arith.select %parallel_loop3A_248, %parallel_loop3A_251, %parallel_loop3A_252 : vector<16xi1>, vector<16xf32>
      %parallel_loop3A_254 = arith.constant 2.500000e-01 : f32
      %parallel_loop3A_255 = arith.constant 7.500000e-01 : f32
      %parallel_loop3A_256 = vector.broadcast %parallel_loop3A_254 : f32 to vector<16xf32>
      %parallel_loop3A_257 = vector.broadcast %parallel_loop3A_255 : f32 to vector<16xf32>
      %parallel_loop3A_258 = arith.select %parallel_loop3A_248, %parallel_loop3A_256, %parallel_loop3A_257 : vector<16xi1>, vector<16xf32>
      %parallel_loop3A_259 = arith.mulf %parallel_loop3A_245, %parallel_loop3A_253 : vector<16xf32>
      %parallel_loop3A_260 = math.absf %parallel_loop3A_245 : vector<16xf32>
      %parallel_loop3A_261 = arith.constant 0.000000e+00 : f32
      %parallel_loop3A_262 = vector.broadcast %parallel_loop3A_261 : f32 to vector<16xf32>
      %parallel_loop3A_263 = arith.subf %parallel_loop3A_262, %parallel_loop3A_260 : vector<16xf32>
      %parallel_loop3A_264 = math.exp %parallel_loop3A_263 : vector<16xf32>
      %parallel_loop3A_265 = arith.constant 0.0301022269 : f32
      %parallel_loop3A_266 = vector.broadcast %parallel_loop3A_265 : f32 to vector<16xf32>
      %parallel_loop3A_267 = arith.mulf %parallel_loop3A_264, %parallel_loop3A_266 : vector<16xf32>
      %parallel_loop3A_268 = arith.constant -0.130117849 : f32
      %parallel_loop3A_269 = vector.broadcast %parallel_loop3A_268 : f32 to vector<16xf32>
      %parallel_loop3A_270 = arith.addf %parallel_loop3A_269, %parallel_loop3A_267 : vector<16xf32>
      %parallel_loop3A_271 = arith.mulf %parallel_loop3A_264, %parallel_loop3A_270 : vector<16xf32>
      %parallel_loop3A_272 = arith.constant 0.283302277 : f32
      %parallel_loop3A_273 = vector.broadcast %parallel_loop3A_272 : f32 to vector<16xf32>
      %parallel_loop3A_274 = arith.addf %parallel_loop3A_273, %parallel_loop3A_271 : vector<16xf32>
      %parallel_loop3A_275 = arith.mulf %parallel_loop3A_264, %parallel_loop3A_274 : vector<16xf32>
      %parallel_loop3A_276 = arith.constant -0.48915571 : f32
      %parallel_loop3A_277 = vector.broadcast %parallel_loop3A_276 : f32 to vector<16xf32>
      %parallel_loop3A_278 = arith.addf %parallel_loop3A_277, %parallel_loop3A_275 : vector<16xf32>
      %parallel_loop3A_279 = arith.mulf %parallel_loop3A_264, %parallel_loop3A_278 : vector<16xf32>
      %parallel_loop3A_280 = arith.constant 0.999010205 : f32
      %parallel_loop3A_281 = vector.broadcast %parallel_loop3A_280 : f32 to vector<16xf32>
      %parallel_loop3A_282 = arith.addf %parallel_loop3A_281, %parallel_loop3A_279 : vector<16xf32>
      %parallel_loop3A_283 = arith.mulf %parallel_loop3A_264, %parallel_loop3A_282 : vector<16xf32>
      %parallel_loop3A_284 = arith.constant 2.21336595E-5 : f32
      %parallel_loop3A_285 = vector.broadcast %parallel_loop3A_284 : f32 to vector<16xf32>
      %parallel_loop3A_286 = arith.addf %parallel_loop3A_285, %parallel_loop3A_283 : vector<16xf32>
      %parallel_loop3A_287 = arith.constant 0.000000e+00 : f32
      %parallel_loop3A_288 = vector.broadcast %parallel_loop3A_287 : f32 to vector<16xf32>
      %parallel_loop3A_289 = arith.maximumf %parallel_loop3A_259, %parallel_loop3A_288 : vector<16xf32>
      %parallel_loop3A_290 = arith.addf %parallel_loop3A_289, %parallel_loop3A_286 : vector<16xf32>
      %parallel_loop3A_291 = arith.constant 0.000000e+00 : f32
      %parallel_loop3A_292 = vector.broadcast %parallel_loop3A_291 : f32 to vector<16xf32>
      %parallel_loop3A_293 = arith.cmpf oge, %parallel_loop3A_259, %parallel_loop3A_292 : vector<16xf32>
      %parallel_loop3A_294 = arith.constant 1.000000e+00 : f32
      %parallel_loop3A_295 = vector.broadcast %parallel_loop3A_294 : f32 to vector<16xf32>
      %parallel_loop3A_296 = arith.select %parallel_loop3A_293, %parallel_loop3A_295, %parallel_loop3A_264 : vector<16xi1>, vector<16xf32>
      %parallel_loop3A_297 = arith.constant 1.000000e+00 : f32
      %parallel_loop3A_298 = vector.broadcast %parallel_loop3A_297 : f32 to vector<16xf32>
      %parallel_loop3A_299 = arith.addf %parallel_loop3A_298, %parallel_loop3A_264 : vector<16xf32>
      %parallel_loop3A_300 = arith.divf %parallel_loop3A_296, %parallel_loop3A_299 : vector<16xf32>
      %parallel_loop3A_301 = arith.mulf %parallel_loop3A_300, %parallel_loop3A_300 : vector<16xf32>
      %parallel_loop3A_302 = arith.mulf %parallel_loop3A_258, %parallel_loop3A_301 : vector<16xf32>
      %parallel_loop3A_303 = arith.mulf %parallel_loop3A_302, %parallel_loop3A_290 : vector<16xf32>
      %parallel_loop3A_304 = arith.addf %parallel_loop3A_91, %parallel_loop3A_303 : vector<16xf32>
      scf.yield %parallel_loop3A_172, %parallel_loop3A_238, %parallel_loop3A_304, %parallel_loop3A_106 : vector<16xf32>, vector<16xf32>, vector<16xf32>, vector<16xf32>
    } {sc.loop_unroll_factor = 8 : i64, sc.parallel_access}
    %dma_wait3A_69 = arith.constant 0 : i32
    %dma_wait3A_70 = tpu.memref_slice %arg2[%dma_wait3A_69, %add3A_58] : memref<3x1048576xf32, #tpu.memory_space<hbm>> -> memref<3x8192xf32, #tpu.memory_space<hbm>>
    %dma_wait3A_71 = arith.constant 0 : i32
    %dma_wait3A_72 = tpu.memref_slice %arg2[%dma_wait3A_71, %add3A_58] : memref<3x1048576xf32, #tpu.memory_space<hbm>> -> memref<3x8192xf32, #tpu.memory_space<hbm>>
    tpu.wait_dma2 semaphore(%arg12 : memref<!tpu.dma_semaphore, #tpu.memory_space<semaphore_mem>>) src(%dma_wait3A_72 : memref<3x8192xf32, #tpu.memory_space<hbm>>) dst(%arg7 : memref<3x8192xf32, #tpu.memory_space<vmem>>)
    %dma_wait3A_73 = tpu.memref_slice %arg3[%add3A_58] : memref<1048576xi32, #tpu.memory_space<hbm>> -> memref<8192xi32, #tpu.memory_space<hbm>>
    %dma_wait3A_74 = tpu.memref_slice %arg3[%add3A_58] : memref<1048576xi32, #tpu.memory_space<hbm>> -> memref<8192xi32, #tpu.memory_space<hbm>>
    tpu.wait_dma2 semaphore(%arg12 : memref<!tpu.dma_semaphore, #tpu.memory_space<semaphore_mem>>) src(%dma_wait3A_74 : memref<8192xi32, #tpu.memory_space<hbm>>) dst(%arg9 : memref<8192xi32, #tpu.memory_space<vmem>>)
    %parallel_loop3A_75 = arith.constant 0 : i32
    %parallel_loop3A_76 = arith.constant 512 : i32
    %parallel_loop3A_77 = arith.constant 1 : i32
    %parallel_loop3A_78:4 = scf.for %parallel_loop3A_88 = %parallel_loop3A_75 to %parallel_loop3A_76 step %parallel_loop3A_77 iter_args(%parallel_loop3A_89 = %parallel_loop3A_68#0, %parallel_loop3A_90 = %parallel_loop3A_68#1, %parallel_loop3A_91 = %parallel_loop3A_68#2, %parallel_loop3A_92 = %parallel_loop3A_68#3) -> (vector<16xf32>, vector<16xf32>, vector<16xf32>, vector<16xf32>)  : i32 {
      %parallel_loop3A_93 = arith.constant 16 : i32
      %parallel_loop3A_94 = arith.muli %parallel_loop3A_88, %parallel_loop3A_93 : i32
      %parallel_loop3A_95 = arith.index_cast %parallel_loop3A_94 : i32 to index
      %parallel_loop3A_96 = tpu.vector_load %arg9[%parallel_loop3A_95] {strides = array<i32>} : memref<8192xi32, #tpu.memory_space<vmem>>, vector<16xi32>,
      %parallel_loop3A_97 = vector.shape_cast %parallel_loop3A_96 : vector<16xi32> to vector<16xi32>
      %parallel_loop3A_98 = arith.constant 0 : i32
      %parallel_loop3A_99 = vector.broadcast %parallel_loop3A_98 : i32 to vector<16xi32>
      %parallel_loop3A_100 = arith.cmpi sgt, %parallel_loop3A_97, %parallel_loop3A_99 : vector<16xi32>
      %parallel_loop3A_101 = arith.constant 1.000000e+00 : f32
      %parallel_loop3A_102 = arith.constant 0.000000e+00 : f32
      %parallel_loop3A_103 = vector.broadcast %parallel_loop3A_101 : f32 to vector<16xf32>
      %parallel_loop3A_104 = vector.broadcast %parallel_loop3A_102 : f32 to vector<16xf32>
      %parallel_loop3A_105 = arith.select %parallel_loop3A_100, %parallel_loop3A_103, %parallel_loop3A_104 : vector<16xi1>, vector<16xf32>
      %parallel_loop3A_106 = arith.addf %parallel_loop3A_92, %parallel_loop3A_105 : vector<16xf32>
      %parallel_loop3A_107 = arith.constant 16 : i32
      %parallel_loop3A_108 = arith.muli %parallel_loop3A_88, %parallel_loop3A_107 : i32
      %parallel_loop3A_109 = arith.constant 0 : i32
      %parallel_loop3A_110 = arith.index_cast %parallel_loop3A_109 : i32 to index
      %parallel_loop3A_111 = arith.index_cast %parallel_loop3A_108 : i32 to index
      %parallel_loop3A_112 = tpu.vector_load %arg7[%parallel_loop3A_110, %parallel_loop3A_111] {strides = array<i32>} : memref<3x8192xf32, #tpu.memory_space<vmem>>, vector<1x16xf32>,
      %parallel_loop3A_113 = vector.shape_cast %parallel_loop3A_112 : vector<1x16xf32> to vector<16xf32>
      %parallel_loop3A_114 = arith.constant 1 : i32
      %parallel_loop3A_115 = vector.broadcast %parallel_loop3A_114 : i32 to vector<16xi32>
      %parallel_loop3A_116 = arith.cmpi eq, %parallel_loop3A_97, %parallel_loop3A_115 : vector<16xi32>
      %parallel_loop3A_117 = arith.constant -1.000000e+00 : f32
      %parallel_loop3A_118 = arith.constant 1.000000e+00 : f32
      %parallel_loop3A_119 = vector.broadcast %parallel_loop3A_117 : f32 to vector<16xf32>
      %parallel_loop3A_120 = vector.broadcast %parallel_loop3A_118 : f32 to vector<16xf32>
      %parallel_loop3A_121 = arith.select %parallel_loop3A_116, %parallel_loop3A_119, %parallel_loop3A_120 : vector<16xi1>, vector<16xf32>
      %parallel_loop3A_122 = arith.constant 2.500000e-01 : f32
      %parallel_loop3A_123 = arith.constant 7.500000e-01 : f32
      %parallel_loop3A_124 = vector.broadcast %parallel_loop3A_122 : f32 to vector<16xf32>
      %parallel_loop3A_125 = vector.broadcast %parallel_loop3A_123 : f32 to vector<16xf32>
      %parallel_loop3A_126 = arith.select %parallel_loop3A_116, %parallel_loop3A_124, %parallel_loop3A_125 : vector<16xi1>, vector<16xf32>
      %parallel_loop3A_127 = arith.mulf %parallel_loop3A_113, %parallel_loop3A_121 : vector<16xf32>
      %parallel_loop3A_128 = math.absf %parallel_loop3A_113 : vector<16xf32>
      %parallel_loop3A_129 = arith.constant 0.000000e+00 : f32
      %parallel_loop3A_130 = vector.broadcast %parallel_loop3A_129 : f32 to vector<16xf32>
      %parallel_loop3A_131 = arith.subf %parallel_loop3A_130, %parallel_loop3A_128 : vector<16xf32>
      %parallel_loop3A_132 = math.exp %parallel_loop3A_131 : vector<16xf32>
      %parallel_loop3A_133 = arith.constant 0.0301022269 : f32
      %parallel_loop3A_134 = vector.broadcast %parallel_loop3A_133 : f32 to vector<16xf32>
      %parallel_loop3A_135 = arith.mulf %parallel_loop3A_132, %parallel_loop3A_134 : vector<16xf32>
      %parallel_loop3A_136 = arith.constant -0.130117849 : f32
      %parallel_loop3A_137 = vector.broadcast %parallel_loop3A_136 : f32 to vector<16xf32>
      %parallel_loop3A_138 = arith.addf %parallel_loop3A_137, %parallel_loop3A_135 : vector<16xf32>
      %parallel_loop3A_139 = arith.mulf %parallel_loop3A_132, %parallel_loop3A_138 : vector<16xf32>
      %parallel_loop3A_140 = arith.constant 0.283302277 : f32
      %parallel_loop3A_141 = vector.broadcast %parallel_loop3A_140 : f32 to vector<16xf32>
      %parallel_loop3A_142 = arith.addf %parallel_loop3A_141, %parallel_loop3A_139 : vector<16xf32>
      %parallel_loop3A_143 = arith.mulf %parallel_loop3A_132, %parallel_loop3A_142 : vector<16xf32>
      %parallel_loop3A_144 = arith.constant -0.48915571 : f32
      %parallel_loop3A_145 = vector.broadcast %parallel_loop3A_144 : f32 to vector<16xf32>
      %parallel_loop3A_146 = arith.addf %parallel_loop3A_145, %parallel_loop3A_143 : vector<16xf32>
      %parallel_loop3A_147 = arith.mulf %parallel_loop3A_132, %parallel_loop3A_146 : vector<16xf32>
      %parallel_loop3A_148 = arith.constant 0.999010205 : f32
      %parallel_loop3A_149 = vector.broadcast %parallel_loop3A_148 : f32 to vector<16xf32>
      %parallel_loop3A_150 = arith.addf %parallel_loop3A_149, %parallel_loop3A_147 : vector<16xf32>
      %parallel_loop3A_151 = arith.mulf %parallel_loop3A_132, %parallel_loop3A_150 : vector<16xf32>
      %parallel_loop3A_152 = arith.constant 2.21336595E-5 : f32
      %parallel_loop3A_153 = vector.broadcast %parallel_loop3A_152 : f32 to vector<16xf32>
      %parallel_loop3A_154 = arith.addf %parallel_loop3A_153, %parallel_loop3A_151 : vector<16xf32>
      %parallel_loop3A_155 = arith.constant 0.000000e+00 : f32
      %parallel_loop3A_156 = vector.broadcast %parallel_loop3A_155 : f32 to vector<16xf32>
      %parallel_loop3A_157 = arith.maximumf %parallel_loop3A_127, %parallel_loop3A_156 : vector<16xf32>
      %parallel_loop3A_158 = arith.addf %parallel_loop3A_157, %parallel_loop3A_154 : vector<16xf32>
      %parallel_loop3A_159 = arith.constant 0.000000e+00 : f32
      %parallel_loop3A_160 = vector.broadcast %parallel_loop3A_159 : f32 to vector<16xf32>
      %parallel_loop3A_161 = arith.cmpf oge, %parallel_loop3A_127, %parallel_loop3A_160 : vector<16xf32>
      %parallel_loop3A_162 = arith.constant 1.000000e+00 : f32
      %parallel_loop3A_163 = vector.broadcast %parallel_loop3A_162 : f32 to vector<16xf32>
      %parallel_loop3A_164 = arith.select %parallel_loop3A_161, %parallel_loop3A_163, %parallel_loop3A_132 : vector<16xi1>, vector<16xf32>
      %parallel_loop3A_165 = arith.constant 1.000000e+00 : f32
      %parallel_loop3A_166 = vector.broadcast %parallel_loop3A_165 : f32 to vector<16xf32>
      %parallel_loop3A_167 = arith.addf %parallel_loop3A_166, %parallel_loop3A_132 : vector<16xf32>
      %parallel_loop3A_168 = arith.divf %parallel_loop3A_164, %parallel_loop3A_167 : vector<16xf32>
      %parallel_loop3A_169 = arith.mulf %parallel_loop3A_168, %parallel_loop3A_168 : vector<16xf32>
      %parallel_loop3A_170 = arith.mulf %parallel_loop3A_126, %parallel_loop3A_169 : vector<16xf32>
      %parallel_loop3A_171 = arith.mulf %parallel_loop3A_170, %parallel_loop3A_158 : vector<16xf32>
      %parallel_loop3A_172 = arith.addf %parallel_loop3A_89, %parallel_loop3A_171 : vector<16xf32>
      %parallel_loop3A_173 = arith.constant 16 : i32
      %parallel_loop3A_174 = arith.muli %parallel_loop3A_88, %parallel_loop3A_173 : i32
      %parallel_loop3A_175 = arith.constant 1 : i32
      %parallel_loop3A_176 = arith.index_cast %parallel_loop3A_175 : i32 to index
      %parallel_loop3A_177 = arith.index_cast %parallel_loop3A_174 : i32 to index
      %parallel_loop3A_178 = tpu.vector_load %arg7[%parallel_loop3A_176, %parallel_loop3A_177] {strides = array<i32>} : memref<3x8192xf32, #tpu.memory_space<vmem>>, vector<1x16xf32>,
      %parallel_loop3A_179 = vector.shape_cast %parallel_loop3A_178 : vector<1x16xf32> to vector<16xf32>
      %parallel_loop3A_180 = arith.constant 2 : i32
      %parallel_loop3A_181 = vector.broadcast %parallel_loop3A_180 : i32 to vector<16xi32>
      %parallel_loop3A_182 = arith.cmpi eq, %parallel_loop3A_97, %parallel_loop3A_181 : vector<16xi32>
      %parallel_loop3A_183 = arith.constant -1.000000e+00 : f32
      %parallel_loop3A_184 = arith.constant 1.000000e+00 : f32
      %parallel_loop3A_185 = vector.broadcast %parallel_loop3A_183 : f32 to vector<16xf32>
      %parallel_loop3A_186 = vector.broadcast %parallel_loop3A_184 : f32 to vector<16xf32>
      %parallel_loop3A_187 = arith.select %parallel_loop3A_182, %parallel_loop3A_185, %parallel_loop3A_186 : vector<16xi1>, vector<16xf32>
      %parallel_loop3A_188 = arith.constant 2.500000e-01 : f32
      %parallel_loop3A_189 = arith.constant 7.500000e-01 : f32
      %parallel_loop3A_190 = vector.broadcast %parallel_loop3A_188 : f32 to vector<16xf32>
      %parallel_loop3A_191 = vector.broadcast %parallel_loop3A_189 : f32 to vector<16xf32>
      %parallel_loop3A_192 = arith.select %parallel_loop3A_182, %parallel_loop3A_190, %parallel_loop3A_191 : vector<16xi1>, vector<16xf32>
      %parallel_loop3A_193 = arith.mulf %parallel_loop3A_179, %parallel_loop3A_187 : vector<16xf32>
      %parallel_loop3A_194 = math.absf %parallel_loop3A_179 : vector<16xf32>
      %parallel_loop3A_195 = arith.constant 0.000000e+00 : f32
      %parallel_loop3A_196 = vector.broadcast %parallel_loop3A_195 : f32 to vector<16xf32>
      %parallel_loop3A_197 = arith.subf %parallel_loop3A_196, %parallel_loop3A_194 : vector<16xf32>
      %parallel_loop3A_198 = math.exp %parallel_loop3A_197 : vector<16xf32>
      %parallel_loop3A_199 = arith.constant 0.0301022269 : f32
      %parallel_loop3A_200 = vector.broadcast %parallel_loop3A_199 : f32 to vector<16xf32>
      %parallel_loop3A_201 = arith.mulf %parallel_loop3A_198, %parallel_loop3A_200 : vector<16xf32>
      %parallel_loop3A_202 = arith.constant -0.130117849 : f32
      %parallel_loop3A_203 = vector.broadcast %parallel_loop3A_202 : f32 to vector<16xf32>
      %parallel_loop3A_204 = arith.addf %parallel_loop3A_203, %parallel_loop3A_201 : vector<16xf32>
      %parallel_loop3A_205 = arith.mulf %parallel_loop3A_198, %parallel_loop3A_204 : vector<16xf32>
      %parallel_loop3A_206 = arith.constant 0.283302277 : f32
      %parallel_loop3A_207 = vector.broadcast %parallel_loop3A_206 : f32 to vector<16xf32>
      %parallel_loop3A_208 = arith.addf %parallel_loop3A_207, %parallel_loop3A_205 : vector<16xf32>
      %parallel_loop3A_209 = arith.mulf %parallel_loop3A_198, %parallel_loop3A_208 : vector<16xf32>
      %parallel_loop3A_210 = arith.constant -0.48915571 : f32
      %parallel_loop3A_211 = vector.broadcast %parallel_loop3A_210 : f32 to vector<16xf32>
      %parallel_loop3A_212 = arith.addf %parallel_loop3A_211, %parallel_loop3A_209 : vector<16xf32>
      %parallel_loop3A_213 = arith.mulf %parallel_loop3A_198, %parallel_loop3A_212 : vector<16xf32>
      %parallel_loop3A_214 = arith.constant 0.999010205 : f32
      %parallel_loop3A_215 = vector.broadcast %parallel_loop3A_214 : f32 to vector<16xf32>
      %parallel_loop3A_216 = arith.addf %parallel_loop3A_215, %parallel_loop3A_213 : vector<16xf32>
      %parallel_loop3A_217 = arith.mulf %parallel_loop3A_198, %parallel_loop3A_216 : vector<16xf32>
      %parallel_loop3A_218 = arith.constant 2.21336595E-5 : f32
      %parallel_loop3A_219 = vector.broadcast %parallel_loop3A_218 : f32 to vector<16xf32>
      %parallel_loop3A_220 = arith.addf %parallel_loop3A_219, %parallel_loop3A_217 : vector<16xf32>
      %parallel_loop3A_221 = arith.constant 0.000000e+00 : f32
      %parallel_loop3A_222 = vector.broadcast %parallel_loop3A_221 : f32 to vector<16xf32>
      %parallel_loop3A_223 = arith.maximumf %parallel_loop3A_193, %parallel_loop3A_222 : vector<16xf32>
      %parallel_loop3A_224 = arith.addf %parallel_loop3A_223, %parallel_loop3A_220 : vector<16xf32>
      %parallel_loop3A_225 = arith.constant 0.000000e+00 : f32
      %parallel_loop3A_226 = vector.broadcast %parallel_loop3A_225 : f32 to vector<16xf32>
      %parallel_loop3A_227 = arith.cmpf oge, %parallel_loop3A_193, %parallel_loop3A_226 : vector<16xf32>
      %parallel_loop3A_228 = arith.constant 1.000000e+00 : f32
      %parallel_loop3A_229 = vector.broadcast %parallel_loop3A_228 : f32 to vector<16xf32>
      %parallel_loop3A_230 = arith.select %parallel_loop3A_227, %parallel_loop3A_229, %parallel_loop3A_198 : vector<16xi1>, vector<16xf32>
      %parallel_loop3A_231 = arith.constant 1.000000e+00 : f32
      %parallel_loop3A_232 = vector.broadcast %parallel_loop3A_231 : f32 to vector<16xf32>
      %parallel_loop3A_233 = arith.addf %parallel_loop3A_232, %parallel_loop3A_198 : vector<16xf32>
      %parallel_loop3A_234 = arith.divf %parallel_loop3A_230, %parallel_loop3A_233 : vector<16xf32>
      %parallel_loop3A_235 = arith.mulf %parallel_loop3A_234, %parallel_loop3A_234 : vector<16xf32>
      %parallel_loop3A_236 = arith.mulf %parallel_loop3A_192, %parallel_loop3A_235 : vector<16xf32>
      %parallel_loop3A_237 = arith.mulf %parallel_loop3A_236, %parallel_loop3A_224 : vector<16xf32>
      %parallel_loop3A_238 = arith.addf %parallel_loop3A_90, %parallel_loop3A_237 : vector<16xf32>
      %parallel_loop3A_239 = arith.constant 16 : i32
      %parallel_loop3A_240 = arith.muli %parallel_loop3A_88, %parallel_loop3A_239 : i32
      %parallel_loop3A_241 = arith.constant 2 : i32
      %parallel_loop3A_242 = arith.index_cast %parallel_loop3A_241 : i32 to index
      %parallel_loop3A_243 = arith.index_cast %parallel_loop3A_240 : i32 to index
      %parallel_loop3A_244 = tpu.vector_load %arg7[%parallel_loop3A_242, %parallel_loop3A_243] {strides = array<i32>} : memref<3x8192xf32, #tpu.memory_space<vmem>>, vector<1x16xf32>,
      %parallel_loop3A_245 = vector.shape_cast %parallel_loop3A_244 : vector<1x16xf32> to vector<16xf32>
      %parallel_loop3A_246 = arith.constant 3 : i32
      %parallel_loop3A_247 = vector.broadcast %parallel_loop3A_246 : i32 to vector<16xi32>
      %parallel_loop3A_248 = arith.cmpi eq, %parallel_loop3A_97, %parallel_loop3A_247 : vector<16xi32>
      %parallel_loop3A_249 = arith.constant -1.000000e+00 : f32
      %parallel_loop3A_250 = arith.constant 1.000000e+00 : f32
      %parallel_loop3A_251 = vector.broadcast %parallel_loop3A_249 : f32 to vector<16xf32>
      %parallel_loop3A_252 = vector.broadcast %parallel_loop3A_250 : f32 to vector<16xf32>
      %parallel_loop3A_253 = arith.select %parallel_loop3A_248, %parallel_loop3A_251, %parallel_loop3A_252 : vector<16xi1>, vector<16xf32>
      %parallel_loop3A_254 = arith.constant 2.500000e-01 : f32
      %parallel_loop3A_255 = arith.constant 7.500000e-01 : f32
      %parallel_loop3A_256 = vector.broadcast %parallel_loop3A_254 : f32 to vector<16xf32>
      %parallel_loop3A_257 = vector.broadcast %parallel_loop3A_255 : f32 to vector<16xf32>
      %parallel_loop3A_258 = arith.select %parallel_loop3A_248, %parallel_loop3A_256, %parallel_loop3A_257 : vector<16xi1>, vector<16xf32>
      %parallel_loop3A_259 = arith.mulf %parallel_loop3A_245, %parallel_loop3A_253 : vector<16xf32>
      %parallel_loop3A_260 = math.absf %parallel_loop3A_245 : vector<16xf32>
      %parallel_loop3A_261 = arith.constant 0.000000e+00 : f32
      %parallel_loop3A_262 = vector.broadcast %parallel_loop3A_261 : f32 to vector<16xf32>
      %parallel_loop3A_263 = arith.subf %parallel_loop3A_262, %parallel_loop3A_260 : vector<16xf32>
      %parallel_loop3A_264 = math.exp %parallel_loop3A_263 : vector<16xf32>
      %parallel_loop3A_265 = arith.constant 0.0301022269 : f32
      %parallel_loop3A_266 = vector.broadcast %parallel_loop3A_265 : f32 to vector<16xf32>
      %parallel_loop3A_267 = arith.mulf %parallel_loop3A_264, %parallel_loop3A_266 : vector<16xf32>
      %parallel_loop3A_268 = arith.constant -0.130117849 : f32
      %parallel_loop3A_269 = vector.broadcast %parallel_loop3A_268 : f32 to vector<16xf32>
      %parallel_loop3A_270 = arith.addf %parallel_loop3A_269, %parallel_loop3A_267 : vector<16xf32>
      %parallel_loop3A_271 = arith.mulf %parallel_loop3A_264, %parallel_loop3A_270 : vector<16xf32>
      %parallel_loop3A_272 = arith.constant 0.283302277 : f32
      %parallel_loop3A_273 = vector.broadcast %parallel_loop3A_272 : f32 to vector<16xf32>
      %parallel_loop3A_274 = arith.addf %parallel_loop3A_273, %parallel_loop3A_271 : vector<16xf32>
      %parallel_loop3A_275 = arith.mulf %parallel_loop3A_264, %parallel_loop3A_274 : vector<16xf32>
      %parallel_loop3A_276 = arith.constant -0.48915571 : f32
      %parallel_loop3A_277 = vector.broadcast %parallel_loop3A_276 : f32 to vector<16xf32>
      %parallel_loop3A_278 = arith.addf %parallel_loop3A_277, %parallel_loop3A_275 : vector<16xf32>
      %parallel_loop3A_279 = arith.mulf %parallel_loop3A_264, %parallel_loop3A_278 : vector<16xf32>
      %parallel_loop3A_280 = arith.constant 0.999010205 : f32
      %parallel_loop3A_281 = vector.broadcast %parallel_loop3A_280 : f32 to vector<16xf32>
      %parallel_loop3A_282 = arith.addf %parallel_loop3A_281, %parallel_loop3A_279 : vector<16xf32>
      %parallel_loop3A_283 = arith.mulf %parallel_loop3A_264, %parallel_loop3A_282 : vector<16xf32>
      %parallel_loop3A_284 = arith.constant 2.21336595E-5 : f32
      %parallel_loop3A_285 = vector.broadcast %parallel_loop3A_284 : f32 to vector<16xf32>
      %parallel_loop3A_286 = arith.addf %parallel_loop3A_285, %parallel_loop3A_283 : vector<16xf32>
      %parallel_loop3A_287 = arith.constant 0.000000e+00 : f32
      %parallel_loop3A_288 = vector.broadcast %parallel_loop3A_287 : f32 to vector<16xf32>
      %parallel_loop3A_289 = arith.maximumf %parallel_loop3A_259, %parallel_loop3A_288 : vector<16xf32>
      %parallel_loop3A_290 = arith.addf %parallel_loop3A_289, %parallel_loop3A_286 : vector<16xf32>
      %parallel_loop3A_291 = arith.constant 0.000000e+00 : f32
      %parallel_loop3A_292 = vector.broadcast %parallel_loop3A_291 : f32 to vector<16xf32>
      %parallel_loop3A_293 = arith.cmpf oge, %parallel_loop3A_259, %parallel_loop3A_292 : vector<16xf32>
      %parallel_loop3A_294 = arith.constant 1.000000e+00 : f32
      %parallel_loop3A_295 = vector.broadcast %parallel_loop3A_294 : f32 to vector<16xf32>
      %parallel_loop3A_296 = arith.select %parallel_loop3A_293, %parallel_loop3A_295, %parallel_loop3A_264 : vector<16xi1>, vector<16xf32>
      %parallel_loop3A_297 = arith.constant 1.000000e+00 : f32
      %parallel_loop3A_298 = vector.broadcast %parallel_loop3A_297 : f32 to vector<16xf32>
      %parallel_loop3A_299 = arith.addf %parallel_loop3A_298, %parallel_loop3A_264 : vector<16xf32>
      %parallel_loop3A_300 = arith.divf %parallel_loop3A_296, %parallel_loop3A_299 : vector<16xf32>
      %parallel_loop3A_301 = arith.mulf %parallel_loop3A_300, %parallel_loop3A_300 : vector<16xf32>
      %parallel_loop3A_302 = arith.mulf %parallel_loop3A_258, %parallel_loop3A_301 : vector<16xf32>
      %parallel_loop3A_303 = arith.mulf %parallel_loop3A_302, %parallel_loop3A_290 : vector<16xf32>
      %parallel_loop3A_304 = arith.addf %parallel_loop3A_91, %parallel_loop3A_303 : vector<16xf32>
      scf.yield %parallel_loop3A_172, %parallel_loop3A_238, %parallel_loop3A_304, %parallel_loop3A_106 : vector<16xf32>, vector<16xf32>, vector<16xf32>, vector<16xf32>
    } {sc.loop_unroll_factor = 8 : i64, sc.parallel_access}
    %add3A_79 = arith.addf %parallel_loop3A_78#0, %parallel_loop3A_78#1 : vector<16xf32>
    %add3A_80 = arith.addf %add3A_79, %parallel_loop3A_78#2 : vector<16xf32>
    %swap3A = arith.constant 0 : index
    %swap3A_81 = tpu.vector_load %arg10[%swap3A] {strides = array<i32>} : memref<16xf32, #tpu.memory_space<vmem>>, vector<16xf32>,
    %swap3A_82 = vector.shape_cast %swap3A_81 : vector<16xf32> to vector<16xf32>
    %swap3A_83 = vector.shape_cast %add3A_80 : vector<16xf32> to vector<16xf32>
    tpu.vector_store %arg10[%swap3A], %swap3A_83 {strides = array<i32>} : memref<16xf32, #tpu.memory_space<vmem>>, vector<16xf32>,
    "tpu.region"() ({
      %run_scoped3A = tpu.sem_alloc : memref<!tpu.dma_semaphore, #tpu.memory_space<semaphore_mem>>
      %dma_start3A_88 = arith.constant 0 : i32
      %dma_start3A_89 = tpu.memref_slice %arg4[%add3A, %dma_start3A_88] : memref<32x16xf32, #tpu.memory_space<hbm>> -> memref<1x16xf32, #tpu.memory_space<hbm>>
      %dma_start3A_90 = tpu.memref_squeeze %dma_start3A_89 : memref<1x16xf32, #tpu.memory_space<hbm>> -> memref<16xf32, #tpu.memory_space<hbm>>
      %dma_start3A_91 = arith.constant 0 : i32
      %dma_start3A_92 = tpu.memref_slice %arg4[%add3A, %dma_start3A_91] : memref<32x16xf32, #tpu.memory_space<hbm>> -> memref<1x16xf32, #tpu.memory_space<hbm>>
      %dma_start3A_93 = tpu.memref_squeeze %dma_start3A_92 : memref<1x16xf32, #tpu.memory_space<hbm>> -> memref<16xf32, #tpu.memory_space<hbm>>
      tpu.enqueue_dma source(%arg10 : memref<16xf32, #tpu.memory_space<vmem>>) target(%dma_start3A_93 : memref<16xf32, #tpu.memory_space<hbm>>) target_semaphore(%run_scoped3A : memref<!tpu.dma_semaphore, #tpu.memory_space<semaphore_mem>>)
      %dma_wait3A_94 = arith.constant 0 : i32
      %dma_wait3A_95 = tpu.memref_slice %arg4[%add3A, %dma_wait3A_94] : memref<32x16xf32, #tpu.memory_space<hbm>> -> memref<1x16xf32, #tpu.memory_space<hbm>>
      %dma_wait3A_96 = tpu.memref_squeeze %dma_wait3A_95 : memref<1x16xf32, #tpu.memory_space<hbm>> -> memref<16xf32, #tpu.memory_space<hbm>>
      %dma_wait3A_97 = arith.constant 0 : i32
      %dma_wait3A_98 = tpu.memref_slice %arg4[%add3A, %dma_wait3A_97] : memref<32x16xf32, #tpu.memory_space<hbm>> -> memref<1x16xf32, #tpu.memory_space<hbm>>
      %dma_wait3A_99 = tpu.memref_squeeze %dma_wait3A_98 : memref<1x16xf32, #tpu.memory_space<hbm>> -> memref<16xf32, #tpu.memory_space<hbm>>
      tpu.wait_dma2 semaphore(%run_scoped3A : memref<!tpu.dma_semaphore, #tpu.memory_space<semaphore_mem>>) src(%arg10 : memref<16xf32, #tpu.memory_space<vmem>>) dst(%dma_wait3A_99 : memref<16xf32, #tpu.memory_space<hbm>>)
      tpu.yield
    }) : () -> ()
    %swap3A_84 = arith.constant 0 : index
    %swap3A_85 = tpu.vector_load %arg10[%swap3A_84] {strides = array<i32>} : memref<16xf32, #tpu.memory_space<vmem>>, vector<16xf32>,
    %swap3A_86 = vector.shape_cast %swap3A_85 : vector<16xf32> to vector<16xf32>
    %swap3A_87 = vector.shape_cast %parallel_loop3A_78#3 : vector<16xf32> to vector<16xf32>
    tpu.vector_store %arg10[%swap3A_84], %swap3A_87 {strides = array<i32>} : memref<16xf32, #tpu.memory_space<vmem>>, vector<16xf32>,
    "tpu.region"() ({
      %run_scoped3A = tpu.sem_alloc : memref<!tpu.dma_semaphore, #tpu.memory_space<semaphore_mem>>
      %dma_start3A_88 = arith.constant 0 : i32
      %dma_start3A_89 = tpu.memref_slice %arg5[%add3A, %dma_start3A_88] : memref<32x16xf32, #tpu.memory_space<hbm>> -> memref<1x16xf32, #tpu.memory_space<hbm>>
      %dma_start3A_90 = tpu.memref_squeeze %dma_start3A_89 : memref<1x16xf32, #tpu.memory_space<hbm>> -> memref<16xf32, #tpu.memory_space<hbm>>
      %dma_start3A_91 = arith.constant 0 : i32
      %dma_start3A_92 = tpu.memref_slice %arg5[%add3A, %dma_start3A_91] : memref<32x16xf32, #tpu.memory_space<hbm>> -> memref<1x16xf32, #tpu.memory_space<hbm>>
      %dma_start3A_93 = tpu.memref_squeeze %dma_start3A_92 : memref<1x16xf32, #tpu.memory_space<hbm>> -> memref<16xf32, #tpu.memory_space<hbm>>
      tpu.enqueue_dma source(%arg10 : memref<16xf32, #tpu.memory_space<vmem>>) target(%dma_start3A_93 : memref<16xf32, #tpu.memory_space<hbm>>) target_semaphore(%run_scoped3A : memref<!tpu.dma_semaphore, #tpu.memory_space<semaphore_mem>>)
      %dma_wait3A_94 = arith.constant 0 : i32
      %dma_wait3A_95 = tpu.memref_slice %arg5[%add3A, %dma_wait3A_94] : memref<32x16xf32, #tpu.memory_space<hbm>> -> memref<1x16xf32, #tpu.memory_space<hbm>>
      %dma_wait3A_96 = tpu.memref_squeeze %dma_wait3A_95 : memref<1x16xf32, #tpu.memory_space<hbm>> -> memref<16xf32, #tpu.memory_space<hbm>>
      %dma_wait3A_97 = arith.constant 0 : i32
      %dma_wait3A_98 = tpu.memref_slice %arg5[%add3A, %dma_wait3A_97] : memref<32x16xf32, #tpu.memory_space<hbm>> -> memref<1x16xf32, #tpu.memory_space<hbm>>
      %dma_wait3A_99 = tpu.memref_squeeze %dma_wait3A_98 : memref<1x16xf32, #tpu.memory_space<hbm>> -> memref<16xf32, #tpu.memory_space<hbm>>
      tpu.wait_dma2 semaphore(%run_scoped3A : memref<!tpu.dma_semaphore, #tpu.memory_space<semaphore_mem>>) src(%arg10 : memref<16xf32, #tpu.memory_space<vmem>>) dst(%dma_wait3A_99 : memref<16xf32, #tpu.memory_space<hbm>>)
      tpu.yield
    }) : () -> ()
    return
  }
}

</mosaic_0001>

<sc_bundles>
// kernel: kernel.3.cloned.1.call-start
scs
__scs_entry_jumppad:
0x0: {  	(pc) =	sbr.rel $0x88, $3  }
0x1: {  	(tag) =	ssettag $0x0;
	lr =	simm.s32 $0x1  }
0x2: {  	[smem:$0x3F9F] =	sst lr;
	_ =	strace $0xD0000000  }
0x3: {  	_ = 	snop  }
0x4: {  	_ = 	snop  }
0x5: {  	_ = 	snop  }
0x6: {  	_ = 	snop  }
0x7: {  	_ = 	snop  }
__scs_overlays_trampoline_lowered:
0x8: {  	[smem:$0x3FAE] =	sst s0  }
0x9: {  	[smem:$0x3FAF] =	sst s1  }
0xa: {  	[smem:$0x3FB0] =	sst s2  }
0xb: {  	[smem:$0x3FB1] =	sst s3  }
0xc: {  	[smem:$0x3FB2] =	sst s4  }
0xd: {  	[smem:$0x3FB3] =	sst s5  }
0xe: {  	[smem:$0x3FB4] =	sst s6  }
0xf: {  	[smem:$0x3FB5] =	sst s7  }
0x10: {  	[smem:$0x3FB6] =	sst s8  }
0x11: {  	[smem:$0x3FB7] =	sst s9;
	s0 =	simm.s32 @!p0 $0x0  }
0x12: {  	s1 =	sld [smem:$0x3F9D];
	s0 =	simm.s32 @p0 $0x1  }
0x13: {  	[smem:$0x3FB8] =	sst s0;
	s0 =	simm.s32 @!p1 $0x0  }
0x14: {  	s2 =	sld [smem:$0x3F9C];
	s0 =	simm.s32 @p1 $0x1  }
0x15: {  	[smem:$0x3FB9] =	sst s0;
	s0 =	simm.s32 @!p2 $0x0  }
0x16: {  	s3 =	sld [smem:$0x3FDB];
	s0 =	simm.s32 @p2 $0x1  }
0x17: {  	s4 =	simm.s32 $0x1BF5;
	[smem:$0x3FBB] =	sst s0  }
0x18: {  	s0 =	sld [smem:$0x3F9E];
	_ =	swait.ge [sflag:s4], $0x0  }
0x19: {  	s7 =	sld [smem:$0x3F9F]  }
0x1a: {  	s8 =	sadd.s32 $0xFFFFE003, lr  }
0x1b: {  	s9 =	sadd.s32 $0xFFFFFEF7, lr;
	s5 =	simm.s32 $0xFFFFFFFF;
	p2 =	slt.u32 s8, $0xFFFFF086  }
0x1c: {  	p1 =	slt.u32 s9, $0xF7A;
	s5 =	simm.s32 @!p2 $0x0  }
0x1d: {  	s5 =	simm.s32 @p1 $0x1;
	p0 =	seq.s32 s7, s2  }
0x1e: {  	s7 =	smul.u32 @!p0 $0xF7A, s2;
	p2 =	seq.s32 @!p0 s5, $0x0  }
0x1f: {  	s9 =	smul.u32 $0xF7A, s1;
	s8 =	simm.s32 @!p0 $0x1BF5;
	p2 =	por !p2, p0  }
0x20: {  	[sflag:s8] =	ssyncset.s32 @!p0 $0xFFFFF086;
	s6 =	sadd.s32 @!p0 s3, s7;
	s7 =	simm.s32 @!p0 $0x108  }
0x21: {  	s3 =	sadd.s32 s3, s9;
	s6 =	sadd.s32 @!p0 $0x88, s6;
	s7 =	simm.s32 @p2 $0x1082  }
0x22: {  	[simem:s7], [sflag:s8] =	dma.local @!p0 [hbm:s6], $0xF7A  }
0x23: {  	s9 =	sor.u32 $0xD0000000, s2;
	s6 =	simm.s32 $0x108;
	_ =	swait.ge @!p0 [sflag:s8], $0x0  }
0x24: {  	s3 =	sadd.s32 $0x88, s3;
	s6 =	simm.s32 @!p1 $0x1082;
	[sflag:s4] =	ssyncset.s32 $0xFFFFF086  }
0x25: {  	[simem:s6], [sflag:s4] =	dma.local [hbm:s3], $0xF7A  }
0x26: {  	[smem:$0x3F9F] =	sst s1;
	(tag) =	ssettag s2;
	_ =	strace s9  }
0x27: {  	s1 =	sld [smem:$0x3FAF]  }
0x28: {  	s2 =	sld [smem:$0x3FB0]  }
0x29: {  	s4 =	sld [smem:$0x3FB2]  }
0x2a: {  	p0 =	seq.s32 s5, $0x0;
	s5 =	sld [smem:$0x3FB3]  }
0x2b: {  	s6 =	sld [smem:$0x3FB4]  }
0x2c: {  	s7 =	sld [smem:$0x3FB5]  }
0x2d: {  	s3 =	simm.s32 $0x108;
	s8 =	sld [smem:$0x3FB6]  }
0x2e: {  	s3 =	simm.s32 @!p0 $0x1082;
	s9 =	sld [smem:$0x3FB7]  }
0x2f: {  	lr =	sadd.s32 s0, s3;
	s0 =	sld [smem:$0x3FAE]  }
0x30: {  	s3 =	sld [smem:$0x3FB1]  }
0x31: {  	[smem:$0x3FBA] =	sst s10  }
0x32: {  	s10 =	sld [smem:$0x3FB8];
	_ =	sdelay $0x3  }
0x33: {  	p0 =	seq.s32 s10, $0x1;
	s10 =	sld [smem:$0x3FBA];
	_ =	sdelay $0x3  }
0x34: {  	[smem:$0x3FBA] =	sst s10  }
0x35: {  	s10 =	sld [smem:$0x3FB9];
	_ =	sdelay $0x3  }
0x36: {  	p1 =	seq.s32 s10, $0x1;
	s10 =	sld [smem:$0x3FBA];
	_ =	sdelay $0x3  }
0x37: {  	[smem:$0x3FBA] =	sst s10  }
0x38: {  	s10 =	sld [smem:$0x3FBB]  }
0x39: {  	_ = 	snop;
	(pc) =	sbr.ind lr, $3  }
0x3a: {  	_ = 	snop  }
0x3b: {  	_ = 	snop  }
0x3c: {  	p2 =	seq.s32 s10, $0x1;
	s10 =	sld [smem:$0x3FBA]  }
0x3d: {  	_ =	shalt  }
0x3e: {  	_ =	shalt  }
0x3f: {  	_ =	shalt  }
0x40: {  	_ =	shalt  }
0x41: {  	_ =	shalt  }
0x42: {  	_ =	shalt  }
0x43: {  	_ =	shalt  }
0x44: {  	_ =	shalt  }
0x45: {  	_ =	shalt  }
0x46: {  	_ =	shalt  }
0x47: {  	_ =	shalt  }
0x48: {  	_ =	shalt  }
0x49: {  	_ =	shalt  }
0x4a: {  	_ =	shalt  }
0x4b: {  	_ =	shalt  }
0x4c: {  	_ =	shalt  }
0x4d: {  	_ =	shalt  }
0x4e: {  	_ =	shalt  }
0x4f: {  	_ =	shalt  }
0x50: {  	_ =	shalt  }
0x51: {  	_ =	shalt  }
0x52: {  	_ =	shalt  }
0x53: {  	_ =	shalt  }
0x54: {  	_ =	shalt  }
0x55: {  	_ =	shalt  }
0x56: {  	_ =	shalt  }
0x57: {  	_ =	shalt  }
0x58: {  	_ =	shalt  }
0x59: {  	_ =	shalt  }
0x5a: {  	_ =	shalt  }
0x5b: {  	_ =	shalt  }
0x5c: {  	_ =	shalt  }
0x5d: {  	_ =	shalt  }
0x5e: {  	_ =	shalt  }
0x5f: {  	_ =	shalt  }
0x60: {  	_ =	shalt  }
0x61: {  	_ =	shalt  }
0x62: {  	_ =	shalt  }
0x63: {  	_ =	shalt  }
0x64: {  	_ =	shalt  }
0x65: {  	_ =	shalt  }
0x66: {  	_ =	shalt  }
0x67: {  	_ =	shalt  }
0x68: {  	_ =	shalt  }
0x69: {  	_ =	shalt  }
0x6a: {  	_ =	shalt  }
0x6b: {  	_ =	shalt  }
0x6c: {  	_ =	shalt  }
0x6d: {  	_ =	shalt  }
0x6e: {  	_ =	shalt  }
0x6f: {  	_ =	shalt  }
0x70: {  	_ =	shalt  }
0x71: {  	_ =	shalt  }
0x72: {  	_ =	shalt  }
0x73: {  	_ =	shalt  }
0x74: {  	_ =	shalt  }
0x75: {  	_ =	shalt  }
0x76: {  	_ =	shalt  }
0x77: {  	_ =	shalt  }
0x78: {  	_ =	shalt  }
0x79: {  	_ =	shalt  }
0x7a: {  	_ =	shalt  }
0x7b: {  	_ =	shalt  }
0x7c: {  	_ =	shalt  }
0x7d: {  	_ =	shalt  }
0x7e: {  	_ =	shalt  }
0x7f: {  	_ =	shalt  }
0x80: {  	_ =	shalt  }
0x81: {  	_ =	shalt  }
0x82: {  	_ =	shalt  }
0x83: {  	_ =	shalt  }
0x84: {  	_ =	shalt  }
0x85: {  	_ =	shalt  }
0x86: {  	_ =	shalt  }
0x87: {  	_ =	shalt  }
.Lfunc_end0:
.L_simem_size_0:
called_computation_lowered:
.L_overlay_start_0:
0x88: {  	s2 =	sld [smem:$0x3FD9]  }
0x89: {  	s3 =	sld [smem:$0x3FFE];
	_ =	sdelay $0x1  }
0x8a: {  	s1 =	srdreg.scid  }
0x8b: {  	s0 =	sand.u32 $0x1, s1  }
0x8c: {  	s17 =	sshll.u32 s0, $0xA;
	s2 =	sadd.s32 s3, s2  }
0x8d: {  	s2 =	sadd.s32 s2, s17  }
0x8e: {  	[smem:$0x3FC6] =	sst s2  }
0x8f: {  	_ = 	snop  }
0x90: {  	s2 =	sld [smem:$0x3FC9]  }
0x91: {  	s18 =	sld [smem:$0x3FC8];
	(tm) =	ssettm $0x1  }
0x92: {  	s4 =	sld [smem:$0x3FFB];
	_ =	sdelay $0x3  }
0x93: {  	_ =	strace s4  }
0x94: {  	s4 =	sld [smem:$0x3FFC];
	_ =	sdelay $0x3  }
0x95: {  	_ =	strace s4  }
0x96: {  	s4 =	sld [smem:$0x3FFD];
	_ =	sdelay $0x3  }
0x97: {  	_ =	strace s4  }
0x98: {  	_ =	strace $0x8FFFFFFF  }
0x99: {  	s19 =	sld [smem:$0x3FDB];
	_ =	sdelay $0x1  }
0x9a: {  	s5 =	simm.s32 $_scs_section_size  }
0x9b: {  	s6 =	simm.s32 $_size__tile_overlayer_lowered;
	s7 =	simm.s32 $_tile_overlayer_lowered  }
0x9c: {  	s22 =	simm.s32 $0x1BFF;
	s21 =	sshll.u32 s7, $0x1;
	s4 =	sadd.s32 s5, s19  }
0x9d: {  	s8 =	simm.s32 $0x0;
	s20 =	sshll.u32 s6, $0x1;
	s6 =	sadd.s32 s21, s4  }
0x9e: {  	[timem:s8], [sflag:s22] =	dma.local [hbm:s6], s20  }
0x9f: {  	_ =	swait.ge [sflag:s22], s20  }
0xa0: {  	s5 =	ssub.s32 $0x0, s20;
	[sflag:s22] =	ssyncset.done $0x0  }
0xa1: {  	[sflag:s22] =	ssyncadd.s32 s5;
	_ =	sdelay $0x1  }
0xa2: {  	s23 =	simm.s32 $0x1B8B  }
0xa3: {  	_ =	swait.ge [sflag:s23], $0x1  }
0xa4: {  	[sflag:s23] =	ssyncset.done $0x0  }
0xa5: {  	s25 =	simm.s32 $0x1B8E;
	s24 =	sld [smem:$0x3FFE];
	[sflag:s23] =	ssyncadd.s32 $0xFFFFFFFF  }
0xa6: {  	s26 =	simm.s32 $execute0_lowered;
	[smem:$0x3FD2] =	sst s25  }
0xa7: {  	s6 =	sshll.u32 s26, $0x1;
	_ =	strace $0x80000046;
	[dreg:$0x1] =	wrdreg $0xFFFFFFFF  }
0xa8: {  	s28 =	simm.s32 $_size_execute0_lowered;
	s4 =	sadd.s32 s4, s6;
	[dreg:$0x0] =	wrdreg $0x0  }
0xa9: {  	s6 =	sshll.u32 s28, $0x1;
	[dreg:$0x2] =	wrdreg s4  }
0xaa: {  	[dreg:$0x3] =	wrdreg s6  }
0xab: {  	[dreg:$0x4] =	wrdreg $0xC0  }
0xac: {  	_ =	task [dreg:s8], $0x5FFFF  }
0xad: {  	[dreg:$0x1] =	wrdreg $0xFFFFFFFF  }
0xae: {  	[dreg:$0x0] =	wrdreg $0x60  }
0xaf: {  	[dreg:$0x2] =	wrdreg s2  }
0xb0: {  	[dreg:$0x3] =	wrdreg s18  }
0xb1: {  	[dreg:$0x4] =	wrdreg s24  }
0xb2: {  	[dreg:$0x5] =	wrdreg $0x9  }
0xb3: {  	_ =	task.clear_ibuf [dreg:s8], $0x6FFFF;
	_ =	strace $0x90000046  }
0xb4: {  	s29 =	simm.s32 $0x9;
	_ =	strace $0x80000048  }
0xb5: {  	_ =	swait.ge [sflag:s29], $0x1  }
0xb6: {  	[sflag:s29] =	ssyncadd.s32 $0xFFFFFFFF  }
0xb7: {  	_ =	strace $0x90000048  }
0xb8: {  	_ =	sfence  }
0xb9: {  	s30 =	sld [smem:$0x0];
	_ =	sdelay $0x2  }
0xba: {  	s31 =	sshll.u32 s1, $0xD;
	s1 =	sshrl.u32 s1, $0x2  }
0xbb: {  	s3 =	sand.u32 $0x4000, s31;
	s1 =	sadd.s32 s1, s30  }
0xbc: {  	s0 =	sor.u32 s3, s0;
	s1 =	sshll.u32 s1, $0x11  }
0xbd: {  	s0 =	sor.u32 s1, s0  }
0xbe: {  	s0 =	sadd.s32 $0x8F2B, s0  }
0xbf: {  	[sflag:s0] =	ssyncadd.remote.s32 $0x1  }
0xc0: {  	_ =	sfence.sel $0xFFFF  }
0xc1: {  	[dreg:$0x0] =	wrdreg $0xFFFFFFFF;
	(pc) =	sbr.abs _section_cstart, $3  }
0xc2: {  	[dreg:$0x1] =	wrdreg $0xFFFFFFFF  }
0xc3: {  	_ =	task.clear_ibuf [dreg:s8], $0x2FFFF;
	_ =	strace $0x9FFFFFFF  }
0xc4: {  	(tm) =	ssettm $0x7FFFFFFF  }
0xc5: {  	_ =	shalt  }
tec
execute0_lowered:
.L_overlay_start_1:
0x0: {  	(tag) =	ssettag $0x1  }
0x1: {  	s10 =	rddreg [dreg:$0x0]  }
0x2: {  	s11 =	rddreg [dreg:$0x1]  }
0x3: {  	s9 =	rddreg [dreg:$0x2]  }
0x4: {  	s0 =	rddreg [dreg:$0x3];
	s3 =	srdreg.scid  }
0x5: {  	s2 =	simm.s32 $0x0;
	s1 =	stileid.u32;
	s16 =	simm.s32 $0x8000  }
0x6: {  	s17 =	simm.s32 $0x12000;
	s18 =	simm.s32 $0x2;
	s19 =	simm.s32 $0x14000  }
0x7: {  	s20 =	simm.s32 $0x3;
	s21 =	simm.s32 $0x0;
	s3 =	sand.u32 $0x1, s3  }
0x8: {  	[smem:$0x7FF] =	sst s2;
	s5 =	sshll.u32 s1, $0x1;
	s4 =	ssub.s32 $0x2, s3  }
0x9: {  	_ =	strace $0x80000047;
	s12 =	sor.u32 s3, s5;
	s6 =	sshrl.u32 s4, $0x1  }
0xa: {  	s3 =	sshll.u32 s12, $0xE;
	s14 =	sshll.u32 s12, $0x8;
	s29 =	sshll.u32 s12, $0xC  }
0xb: {  	s12 =	sshll.u32 s12, $0x4;
	s13 =	ssub.s32 s4, s6;
	s3 =	sadd.s32 s10, s3  }
0xc: {  	s30 =	sor.u32 $0x40, s14;
	s4 =	sadd.s32 s11, s29;
	s8 =	sor.u32 $0x80, s14  }
0xd: {  	s14 =	sor.u32 $0xC0, s14;
	s9 =	sadd.s32 s9, s12;
	s31 =	sshll.u32 s30, $0x6  }
0xe: {  	s6 =	sshll.u32 s30, $0x4;
	s7 =	sshll.u32 s8, $0x6;
	s8 =	sshll.u32 s8, $0x4  }
0xf: {  	s15 =	sshll.u32 s14, $0x6;
	s14 =	sshll.u32 s14, $0x4;
	s12 =	sadd.s32 $0x200, s9  }
0x10: {  	s13 =	smax.u32 s13, $0x1;
	s5 =	sadd.s32 s10, s31;
	s6 =	sadd.s32 s11, s6  }
0x11: {  	s7 =	sadd.s32 s10, s7;
	s8 =	sadd.s32 s11, s8;
	s10 =	sadd.s32 s10, s15  }
0x12: {  	v0 =	vimm.f32 $0.0e+00;
	v1 =	vimm.f32 $7.500000000e-01;
	s11 =	sadd.s32 s11, s14;
	s14 =	simm.s32 $0x10000;
	s15 =	simm.s32 $0x1  }
.LBB2_1:
0x13: {  	[tilespmem:s2], [sflag:$0x1] =	stream.linear.gather [hbm4b:s3+s2], $0x8000, $0x38;
	[tilespmem:$0x14080] =	vst v63  }
0x14: {  	_ = 	snop  }
0x15: {  	[tilespmem:s14], [sflag:$0x1] =	stream.linear.gather [hbm4b:s4+s2], $0x2000, $0x38;
	[tilespmem:$0x14080] =	vst v63  }
0x16: {  	_ =	swait.ge [sflag:s15], $0x8000  }
0x17: {  	[sflag:s15] =	ssyncset.done $0x0  }
0x18: {  	[sflag:s15] =	ssyncadd.s32 $0xFFFF8000  }
0x19: {  	_ =	swait.ge [sflag:s15], $0x2000  }
0x1a: {  	[sflag:s15] =	ssyncset.done $0x0  }
0x1b: {  	s22 =	sand.u32 $0x70, s2;
	s23 =	sand.u32 $0x7E00, s2;
	[sflag:s15] =	ssyncadd.s32 $0xFFFFE000  }
0x1c: {  	[tilespmem:s16], [sflag:$0x2] =	stream.linear.gather [hbm4b:s5+s2], $0x8000, $0x38;
	[tilespmem:$0x14080] =	vst v63  }
0x1d: {  	s22 =	sor.u32 s22, s23  }
0x1e: {  	[tilespmem:s17], [sflag:$0x2] =	stream.linear.gather [hbm4b:s6+s2], $0x2000, $0x38;
	[tilespmem:$0x14080] =	vst v63  }
0x1f: {  	v2 =	vld [tilespmem:s22+$0x100];
	_ =	sdelay $0x1  }
0x20: {  	v3 =	vld [tilespmem:s22+$0x80];
	_ =	sdelay $0x2  }
0x21: {  	v5 =	vld [tilespmem:s22+$0x0];
	v4 =	vand.u32 $0x7FFFFFFF, v2  }
0x22: {  	v4 =	vsub.f32 $0.0e+00, v4  }
0x23: {  	v6 =	vand.u32 $0x7FFFFFFF, v3  }
0x24: {  	v6 =	vsub.f32 $0.0e+00, v6;
	v4 =	vmul.f32 $1.442695020e+00, v4;
	_ =	sdelay $0x1  }
0x25: {  	s29 =	simm.s32 $0x10;
	s30 =	simm.s32 $0x40;
	v6 =	vmul.f32 $1.442695020e+00, v6;
	(erf) = vpow2.f32 v4;
	v4 =	vand.u32 $0x7FFFFFFF, v5  }
0x26: {  	s23 =	sand.u32 $0x7E00, s30;
	s22 =	sand.u32 $0x70, s29;
	v4 =	vsub.f32 $0.0e+00, v4  }
0x27: {  	s22 =	sor.u32 s22, s23;
	(erf) = vpow2.f32 v6  }
0x28: {  	s28 =	simm.s32 $0x0;
	v14 =	vld [tilespmem:s22+$0x80];
	v4 =	vmul.f32 $1.442695020e+00, v4  }
0x29: {  	v6 =	vld [tilespmem:s28+$0x10000]  }
0x2a: {  	(erf) = vpow2.f32 v4;
	_ =	sdelay $0x2  }
0x2b: {  	v7 =	vxor.u32 $0x80000000, v3;
	v9 =	vxor.u32 $0x80000000, v5  }
0x2c: {  	v10 =	vxor.u32 $0x80000000, v2;
	v21 =	vxor.u32 $0x80000000, v14;
	vm1 =	veq.s32 v6, $0x3;
	v4 =	vpop (erf)  }
0x2d: {  	vm0 =	veq.s32 v6, $0x1;
	vm2 =	veq.s32 v6, $0x2;
	v8 =	vmul.f32 $3.010222690e-02, v4  }
0x2e: {  	vm3 =	vgt.s32 v6, $0x0;
	v10 =	vsel vm1, v10, v2;
	v5 =	vsel vm0, v9, v5;
	v11 =	vpop (erf)  }
0x2f: {  	v12 =	vmul.f32 $3.010222690e-02, v11;
	v2 =	vadd.f32 $-1.301178490e-01, v8;
	v8 =	vadd.f32 $1.000000000e+00, v4  }
0x30: {  	v3 =	vsel vm2, v7, v3;
	v16 =	vsel vm2, $0x3E800000, v1;
	v15 =	vmax.f32 v5, $0.0e+00  }
0x31: {  	v7 =	vadd.f32 $-1.301178490e-01, v12;
	v2 =	vmul.f32 v2, v4;
	(erf) = vrcp.f32 v8;
	v9 =	vpop (erf)  }
0x32: {  	v17 =	vmax.f32 v3, $0.0e+00;
	v8 =	vadd.f32 $1.000000000e+00, v11;
	v6 =	vmul.f32 $3.010222690e-02, v9  }
0x33: {  	vm2 =	vge.f32 v5, $0.0e+00;
	v7 =	vmul.f32 v7, v11;
	v2 =	vadd.f32 $2.833022770e-01, v2  }
0x34: {  	v5 =	vld [tilespmem:s22+$0x0];
	(erf) = vrcp.f32 v8;
	v8 =	vsel vm3, $0x3F800000, v0;
	v6 =	vadd.f32 $-1.301178490e-01, v6  }
0x35: {  	v7 =	vadd.f32 $2.833022770e-01, v7;
	v13 =	vmul.f32 v2, v4;
	v2 =	vadd.f32 v8, v0;
	v8 =	vld [tilespmem:s22+$0x100]  }
0x36: {  	v12 =	vadd.f32 $1.000000000e+00, v9;
	vm3 =	vge.f32 v3, $0.0e+00;
	v6 =	vmul.f32 v6, v9  }
0x37: {  	v3 =	vsel vm1, $0x3E800000, v1;
	vm1 =	vge.f32 v10, $0.0e+00;
	v7 =	vmul.f32 v7, v11  }
0x38: {  	(erf) = vrcp.f32 v12;
	v13 =	vadd.f32 $-4.891557100e-01, v13;
	v6 =	vadd.f32 $2.833022770e-01, v6  }
0x39: {  	v22 =	vxor.u32 $0x80000000, v5;
	v19 =	vsel vm1, $0x3F800000, v4;
	v7 =	vadd.f32 $-4.891557100e-01, v7  }
0x3a: {  	v13 =	vmul.f32 v13, v4;
	v20 =	vand.u32 $0x7FFFFFFF, v8;
	v6 =	vmul.f32 v6, v9;
	v23 =	vpop (erf)  }
0x3b: {  	v12 =	vand.u32 $0x7FFFFFFF, v14;
	v20 =	vsub.f32 $0.0e+00, v20;
	v19 =	vmul.f32 v23, v19  }
0x3c: {  	v7 =	vmul.f32 v7, v11;
	v13 =	vadd.f32 $9.990102050e-01, v13;
	v6 =	vadd.f32 $-4.891557100e-01, v6  }
0x3d: {  	v12 =	vsub.f32 $0.0e+00, v12;
	v20 =	vmul.f32 $1.442695020e+00, v20;
	v19 =	vmul.f32 v19, v19  }
0x3e: {  	v4 =	vmul.f32 v13, v4;
	v13 =	vand.u32 $0x7FFFFFFF, v5;
	v6 =	vmul.f32 v6, v9  }
0x3f: {  	s31 =	simm.s32 $0x10;
	v12 =	vmul.f32 $1.442695020e+00, v12;
	v13 =	vsub.f32 $0.0e+00, v13;
	(erf) = vpow2.f32 v20  }
0x40: {  	v63 =	vld [tilespmem:s31+$0x10000];
	v62 =	vpop (erf);
	v7 =	vadd.f32 $9.990102050e-01, v7;
	v3 =	vmul.f32 v19, v3;
	v6 =	vadd.f32 $9.990102050e-01, v6  }
0x41: {  	(erf) = vpow2.f32 v12;
	v12 =	vsel vm2, $0x3F800000, v9;
	v13 =	vmul.f32 $1.442695020e+00, v13;
	v19 =	vpop (erf)  }
0x42: {  	v10 =	vmax.f32 v10, $0.0e+00;
	v6 =	vmul.f32 v6, v9;
	v9 =	vmul.f32 v19, v12  }
0x43: {  	v18 =	vsel vm3, $0x3F800000, v11;
	v7 =	vmul.f32 v7, v11;
	(erf) = vpow2.f32 v13  }
0x44: {  	v18 =	vmul.f32 v62, v18;
	v4 =	vadd.f32 $2.213365950e-05, v4;
	v9 =	vmul.f32 v9, v9  }
0x45: {  	vm1 =	veq.s32 v63, $0x3;
	vm2 =	veq.s32 v63, $0x2;
	v7 =	vadd.f32 $2.213365950e-05, v7  }
0x46: {  	v4 =	vadd.f32 v4, v10;
	v10 =	vmul.f32 v18, v18;
	v11 =	vsel vm2, v21, v14  }
0x47: {  	v12 =	vsel vm0, $0x3E800000, v1;
	v13 =	vxor.u32 $0x80000000, v8;
	v6 =	vadd.f32 $2.213365950e-05, v6  }
0x48: {  	vm0 =	veq.s32 v63, $0x1;
	v8 =	vsel vm1, v13, v8;
	v13 =	vmul.f32 v9, v12;
	v9 =	vpop (erf)  }
0x49: {  	v16 =	vmul.f32 v10, v16;
	v6 =	vadd.f32 v6, v15;
	v14 =	vmul.f32 $3.010222690e-02, v9  }
0x4a: {  	v10 =	vmul.f32 v4, v3;
	v12 =	vsel vm0, v22, v5;
	v18 =	vadd.f32 $1.000000000e+00, v9;
	v5 =	vpop (erf)  }
0x4b: {  	v4 =	vmul.f32 v6, v13;
	v15 =	vmul.f32 $3.010222690e-02, v5;
	v3 =	vadd.f32 $-1.301178490e-01, v14  }
0x4c: {  	(erf) = vrcp.f32 v18;
	v14 =	vadd.f32 v7, v17;
	v18 =	vadd.f32 $1.000000000e+00, v5;
	v7 =	vpop (erf)  }
0x4d: {  	vm3 =	vgt.s32 v63, $0x0;
	v6 =	vadd.f32 $-1.301178490e-01, v15;
	v15 =	vadd.f32 $1.000000000e+00, v7  }
0x4e: {  	v17 =	vmul.f32 v3, v9;
	v3 =	vadd.f32 v4, v0;
	v14 =	vmul.f32 v14, v16  }
0x4f: {  	v16 =	vmul.f32 $3.010222690e-02, v7;
	(erf) = vrcp.f32 v18;
	v4 =	vimm.f32 $0.0e+00  }
0x50: {  	s24 =	simm.s32 $0x20;
	s22 =	simm.s32 $0x80;
	v13 =	vmul.f32 v6, v5;
	v6 =	vimm.f32 $0.0e+00;
	v17 =	vadd.f32 $2.833022770e-01, v17  }
.LBB2_2:
0x51: {  	s23 =	smov.u32 s24  }
0x52: {  	s25 =	sand.u32 $0x70, s24;
	s26 =	sand.u32 $0x7E00, s22;
	v18 =	vsel vm3, $0x3F800000, v0;
	v6 =	vadd.f32 v14, v6;
	v4 =	vadd.f32 v10, v4;
	s23 =	sadd.s32 $0x10, s24  }
0x53: {  	p0 =	sne.s32 s24, $0x1FF0;
	s25 =	sor.u32 s25, s26;
	v2 =	vadd.f32 v18, v2;
	v10 =	vadd.f32 $-1.301178490e-01, v16;
	v14 =	vmul.f32 v17, v9  }
0x54: {  	v19 =	vmax.f32 v11, $0.0e+00;
	v17 =	vmax.f32 v12, $0.0e+00;
	v18 =	vsel vm2, $0x3E800000, v1;
	v16 =	vld [tilespmem:s25+$0x80]  }
0x55: {  	vm2 =	vge.f32 v12, $0.0e+00;
	v10 =	vmul.f32 v10, v7;
	v12 =	vadd.f32 $-4.891557100e-01, v14;
	v20 =	vld [tilespmem:s25+$0x100]  }
0x56: {  	vm3 =	vge.f32 v11, $0.0e+00;
	v11 =	vsel vm1, $0x3E800000, v1;
	vm1 =	vge.f32 v8, $0.0e+00;
	v14 =	vld [tilespmem:s25+$0x0];
	v21 =	vpop (erf)  }
0x57: {  	v22 =	vsel vm3, $0x3F800000, v5;
	v10 =	vadd.f32 $2.833022770e-01, v10;
	v12 =	vmul.f32 v12, v9  }
0x58: {  	v8 =	vmax.f32 v8, $0.0e+00;
	v23 =	vsel vm1, $0x3F800000, v9;
	(erf) = vrcp.f32 v15  }
0x59: {  	v12 =	vadd.f32 $9.990102050e-01, v12;
	v15 =	vxor.u32 $0x80000000, v16;
	v24 =	vand.u32 $0x7FFFFFFF, v16  }
0x5a: {  	v10 =	vmul.f32 v10, v7;
	v24 =	vsub.f32 $0.0e+00, v24;
	v25 =	vand.u32 $0x7FFFFFFF, v20;
	v26 =	vpop (erf)  }
0x5b: {  	v9 =	vmul.f32 v12, v9;
	v27 =	vxor.u32 $0x80000000, v14;
	v25 =	vsub.f32 $0.0e+00, v25  }
0x5c: {  	v10 =	vadd.f32 $-4.891557100e-01, v10;
	v12 =	vand.u32 $0x7FFFFFFF, v14;
	v24 =	vmul.f32 $1.442695020e+00, v24  }
0x5d: {  	v21 =	vmul.f32 v21, v23;
	v9 =	vadd.f32 $2.213365950e-05, v9;
	v25 =	vmul.f32 $1.442695020e+00, v25  }
0x5e: {  	v13 =	vadd.f32 $2.833022770e-01, v13;
	v12 =	vsub.f32 $0.0e+00, v12;
	v10 =	vmul.f32 v10, v7  }
0x5f: {  	s24 =	sshra.s32 s22, $0x2;
	v23 =	vadd.f32 v9, v8;
	(erf) = vpow2.f32 v25;
	v25 =	vmul.f32 v21, v21  }
0x60: {  	v9 =	vadd.f32 $9.990102050e-01, v10;
	v10 =	vmul.f32 v13, v5;
	v21 =	vld [tilespmem:s24+$0x10000];
	(erf) = vpow2.f32 v24  }
0x61: {  	v22 =	vmul.f32 v26, v22;
	v13 =	vsel vm2, $0x3F800000, v7;
	v24 =	vmul.f32 v25, v11;
	v8 =	vpop (erf)  }
0x62: {  	v7 =	vmul.f32 v9, v7;
	v9 =	vadd.f32 $-4.891557100e-01, v10;
	v11 =	vmul.f32 $1.442695020e+00, v12  }
0x63: {  	v10 =	vsel vm0, $0x3E800000, v1;
	v12 =	vmul.f32 v22, v22;
	v8 =	vmul.f32 v8, v13  }
0x64: {  	v7 =	vadd.f32 $2.213365950e-05, v7;
	v9 =	vmul.f32 v9, v5;
	(erf) = vpow2.f32 v11  }
0x65: {  	v11 =	vxor.u32 $0x80000000, v20;
	v13 =	vmul.f32 v8, v8;
	vm1 =	veq.s32 v21, $0x3  }
0x66: {  	vm0 =	veq.s32 v21, $0x1;
	v8 =	vsel vm1, v11, v20;
	v20 =	vadd.f32 $9.990102050e-01, v9  }
0x67: {  	v18 =	vmul.f32 v12, v18;
	vm2 =	veq.s32 v21, $0x2;
	v13 =	vmul.f32 v13, v10  }
0x68: {  	v12 =	vsel vm0, v27, v14;
	v11 =	vsel vm2, v15, v16;
	v9 =	vpop (erf);
	v10 =	vmul.f32 v20, v5  }
0x69: {  	v7 =	vadd.f32 v7, v17;
	v14 =	vmul.f32 $3.010222690e-02, v9;
	v15 =	vadd.f32 $1.000000000e+00, v9;
	v5 =	vpop (erf)  }
0x6a: {  	v16 =	vmul.f32 $3.010222690e-02, v5;
	v17 =	vadd.f32 $2.213365950e-05, v10;
	v10 =	vmul.f32 v23, v24  }
.Ltmp0:
0x6b: {  	v13 =	vmul.f32 v7, v13;
	v14 =	vadd.f32 $-1.301178490e-01, v14;
	(erf) = vrcp.f32 v15;
	(pc) =	sbr.rel @p0 .LBB2_2-.Ltmp0, $4  }
0x6c: {  	vm3 =	vgt.s32 v21, $0x0;
	v16 =	vadd.f32 $-1.301178490e-01, v16;
	v17 =	vadd.f32 v17, v19  }
0x6d: {  	v3 =	vadd.f32 v13, v3;
	v19 =	vadd.f32 $1.000000000e+00, v5;
	v20 =	vmul.f32 v14, v9;
	v7 =	vpop (erf)  }
0x6e: {  	v15 =	vadd.f32 $1.000000000e+00, v7;
	v13 =	vmul.f32 v16, v5;
	v14 =	vmul.f32 v17, v18  }
0x6f: {  	s22 =	sadd.s32 $0x40, s22;
	s24 =	smov.u32 s23;
	v16 =	vmul.f32 $3.010222690e-02, v7;
	v17 =	vadd.f32 $2.833022770e-01, v20;
	(erf) = vrcp.f32 v19  }
0x70: {  	(erf) = vrcp.f32 v15;
	_ =	sdelay $0x6  }
0x71: {  	v15 =	vpop (erf)  }
0x72: {  	v18 =	vpop (erf)  }
0x73: {  	v19 =	vpop (erf)  }
0x74: {  	_ =	swait.ge [sflag:s18], $0x8000  }
0x75: {  	[sflag:s18] =	ssyncset.done $0x0  }
0x76: {  	[sflag:s18] =	ssyncadd.s32 $0xFFFF8000  }
0x77: {  	_ =	swait.ge [sflag:s18], $0x2000  }
0x78: {  	[sflag:s18] =	ssyncset.done $0x0  }
0x79: {  	s22 =	simm.s32 $0x0;
	v16 =	vadd.f32 $-1.301178490e-01, v16;
	[sflag:s18] =	ssyncadd.s32 $0xFFFFE000  }
0x7a: {  	v17 =	vmul.f32 v17, v9;
	[tilespmem:s22], [sflag:$0x1] =	stream.linear.gather [hbm4b:s7+s22], $0x8000, $0x38;
	[tilespmem:$0x14080] =	vst v63  }
0x7b: {  	v13 =	vadd.f32 $2.833022770e-01, v13;
	v16 =	vmul.f32 v16, v7  }
0x7c: {  	v17 =	vadd.f32 $-4.891557100e-01, v17;
	[tilespmem:s14], [sflag:$0x1] =	stream.linear.gather [hbm4b:s8+s22], $0x2000, $0x38;
	[tilespmem:$0x14080] =	vst v63  }
0x7d: {  	v20 =	vsel vm3, $0x3F800000, v0;
	v21 =	vmax.f32 v12, $0.0e+00;
	s23 =	sand.u32 $0x70, s22;
	v16 =	vadd.f32 $2.833022770e-01, v16;
	s22 =	sand.u32 $0x7E00, s22  }
0x7e: {  	v22 =	vsel vm2, $0x3E800000, v1;
	v13 =	vmul.f32 v13, v5;
	v17 =	vmul.f32 v17, v9;
	s22 =	sor.u32 s23, s22  }
0x7f: {  	v23 =	vmax.f32 v11, $0.0e+00;
	vm2 =	vge.f32 v12, $0.0e+00;
	v16 =	vmul.f32 v16, v7;
	v12 =	vld [tilespmem:s22+$0x8100]  }
0x80: {  	vm3 =	vge.f32 v11, $0.0e+00;
	v13 =	vadd.f32 $-4.891557100e-01, v13;
	v11 =	vadd.f32 $9.990102050e-01, v17  }
0x81: {  	v17 =	vsel vm1, $0x3E800000, v1;
	vm1 =	vge.f32 v8, $0.0e+00;
	v16 =	vadd.f32 $-4.891557100e-01, v16;
	v25 =	vld [tilespmem:s22+$0x8080]  }
0x82: {  	v13 =	vmul.f32 v13, v5;
	v11 =	vmul.f32 v11, v9;
	v9 =	vsel vm1, $0x3F800000, v9  }
0x83: {  	v24 =	vsel vm3, $0x3F800000, v5;
	v9 =	vmul.f32 v15, v9;
	v15 =	vmul.f32 v16, v7  }
0x84: {  	v26 =	vsel vm2, $0x3F800000, v7;
	v13 =	vadd.f32 $9.990102050e-01, v13;
	v16 =	vand.u32 $0x7FFFFFFF, v12  }
0x85: {  	v8 =	vmax.f32 v8, $0.0e+00;
	v15 =	vadd.f32 $9.990102050e-01, v15;
	v16 =	vsub.f32 $0.0e+00, v16  }
0x86: {  	v5 =	vmul.f32 v13, v5;
	v11 =	vadd.f32 $2.213365950e-05, v11;
	v47 =	vand.u32 $0x7FFFFFFF, v25  }
0x87: {  	v7 =	vmul.f32 v15, v7;
	v15 =	vsub.f32 $0.0e+00, v47;
	v16 =	vmul.f32 $1.442695020e+00, v16  }
0x88: {  	v18 =	vmul.f32 v18, v24;
	v19 =	vmul.f32 v19, v26;
	v8 =	vadd.f32 v11, v8;
	v11 =	vld [tilespmem:s22+$0x8000]  }
0x89: {  	v5 =	vadd.f32 $2.213365950e-05, v5;
	v15 =	vmul.f32 $1.442695020e+00, v15;
	(erf) = vpow2.f32 v16  }
0x8a: {  	v18 =	vmul.f32 v18, v18;
	v16 =	vmul.f32 v19, v19  }
0x8b: {  	v48 =	vsel vm0, $0x3E800000, v1;
	v5 =	vadd.f32 v5, v23;
	(erf) = vpow2.f32 v15  }
0x8c: {  	v7 =	vadd.f32 $2.213365950e-05, v7;
	v15 =	vmul.f32 v16, v48;
	v16 =	vmul.f32 v18, v22  }
0x8d: {  	v9 =	vmul.f32 v9, v9;
	v13 =	vand.u32 $0x7FFFFFFF, v11  }
0x8e: {  	s28 =	simm.s32 $0x0;
	v7 =	vadd.f32 v7, v21;
	v13 =	vsub.f32 $0.0e+00, v13;
	v5 =	vmul.f32 v5, v16  }
0x8f: {  	v6 =	vadd.f32 v14, v6;
	v9 =	vmul.f32 v9, v17;
	v14 =	vld [tilespmem:s28+$0x12000]  }
0x90: {  	v13 =	vmul.f32 $1.442695020e+00, v13;
	v7 =	vmul.f32 v7, v15  }
0x91: {  	v4 =	vadd.f32 v10, v4;
	v8 =	vmul.f32 v8, v9  }
0x92: {  	(erf) = vpow2.f32 v13;
	v13 =	vadd.f32 v7, v3;
	v3 =	vadd.f32 v5, v6;
	v5 =	vpop (erf)  }
0x93: {  	s29 =	simm.s32 $0x10;
	s30 =	simm.s32 $0x40;
	v9 =	vadd.f32 v20, v2;
	v7 =	vmul.f32 $3.010222690e-02, v5  }
0x94: {  	v2 =	vadd.f32 v8, v4;
	s23 =	sand.u32 $0x7E00, s30;
	s22 =	sand.u32 $0x70, s29;
	vm1 =	veq.s32 v14, $0x3;
	vm2 =	veq.s32 v14, $0x2  }
0x95: {  	s22 =	sor.u32 s22, s23;
	v4 =	vxor.u32 $0x80000000, v25;
	v8 =	vxor.u32 $0x80000000, v12;
	v7 =	vadd.f32 $-1.301178490e-01, v7  }
0x96: {  	v49 =	vld [tilespmem:s22+$0x8100];
	vm0 =	veq.s32 v14, $0x1;
	v8 =	vsel vm1, v8, v12;
	v12 =	vsel vm2, v4, v25  }
0x97: {  	v6 =	vxor.u32 $0x80000000, v11;
	v10 =	vadd.f32 $1.000000000e+00, v5;
	v15 =	vpop (erf);
	v4 =	vmul.f32 v7, v5  }
0x98: {  	v6 =	vsel vm0, v6, v11;
	v11 =	vmul.f32 $3.010222690e-02, v15  }
0x99: {  	(erf) = vrcp.f32 v10;
	v10 =	vadd.f32 $1.000000000e+00, v15;
	v17 =	vadd.f32 $2.833022770e-01, v4  }
0x9a: {  	vm3 =	vgt.s32 v14, $0x0  }
0x9b: {  	v53 =	vand.u32 $0x7FFFFFFF, v49;
	(erf) = vrcp.f32 v10;
	v10 =	vmul.f32 v17, v5  }
0x9c: {  	v18 =	vsel vm2, $0x3E800000, v1;
	vm2 =	vge.f32 v6, $0.0e+00;
	v7 =	vadd.f32 $-1.301178490e-01, v11;
	v11 =	vpop (erf)  }
0x9d: {  	v16 =	vmul.f32 $3.010222690e-02, v11;
	v17 =	vmax.f32 v6, $0.0e+00;
	v6 =	vadd.f32 $-4.891557100e-01, v10  }
0x9e: {  	v24 =	vsub.f32 $0.0e+00, v53;
	v7 =	vmul.f32 v7, v15;
	v4 =	vsel vm3, $0x3F800000, v0  }
0x9f: {  	v4 =	vadd.f32 v4, v9;
	v9 =	vadd.f32 $-1.301178490e-01, v16;
	v16 =	vld [tilespmem:s22+$0x8080];
	v6 =	vmul.f32 v6, v5  }
0xa0: {  	v19 =	vmax.f32 v12, $0.0e+00;
	v24 =	vmul.f32 $1.442695020e+00, v24;
	v14 =	vadd.f32 $1.000000000e+00, v11  }
0xa1: {  	vm3 =	vge.f32 v12, $0.0e+00;
	v7 =	vadd.f32 $2.833022770e-01, v7;
	v6 =	vadd.f32 $9.990102050e-01, v6  }
0xa2: {  	v12 =	vsel vm1, $0x3E800000, v1;
	vm1 =	vge.f32 v8, $0.0e+00;
	v9 =	vmul.f32 v9, v11;
	v10 =	vld [tilespmem:s22+$0x8000]  }
0xa3: {  	v8 =	vmax.f32 v8, $0.0e+00;
	(erf) = vrcp.f32 v14;
	v7 =	vmul.f32 v7, v15  }
0xa4: {  	v51 =	vsel vm1, $0x3F800000, v5;
	v9 =	vadd.f32 $2.833022770e-01, v9;
	v52 =	vand.u32 $0x7FFFFFFF, v16  }
0xa5: {  	s31 =	simm.s32 $0x10;
	v7 =	vadd.f32 $-4.891557100e-01, v7;
	v23 =	vsub.f32 $0.0e+00, v52;
	v5 =	vmul.f32 v6, v5;
	v6 =	vpop (erf)  }
0xa6: {  	v57 =	vld [tilespmem:s31+$0x12000];
	v58 =	vsel vm2, $0x3F800000, v11;
	v9 =	vmul.f32 v9, v11;
	v6 =	vmul.f32 v6, v51  }
0xa7: {  	v7 =	vmul.f32 v7, v15;
	v55 =	vand.u32 $0x7FFFFFFF, v10;
	v23 =	vmul.f32 $1.442695020e+00, v23  }
0xa8: {  	v9 =	vadd.f32 $-4.891557100e-01, v9;
	v5 =	vadd.f32 $2.213365950e-05, v5;
	v6 =	vmul.f32 v6, v6  }
0xa9: {  	v56 =	vsub.f32 $0.0e+00, v55;
	v7 =	vadd.f32 $9.990102050e-01, v7;
	(erf) = vpow2.f32 v24  }
0xaa: {  	v9 =	vmul.f32 v9, v11;
	v5 =	vadd.f32 v5, v8;
	v8 =	vpop (erf);
	(erf) = vpow2.f32 v23  }
0xab: {  	vm2 =	veq.s32 v57, $0x2;
	v50 =	vsel vm3, $0x3F800000, v15;
	v7 =	vmul.f32 v7, v15  }
0xac: {  	v9 =	vadd.f32 $9.990102050e-01, v9;
	v59 =	vmul.f32 v6, v12;
	v12 =	vmul.f32 $1.442695020e+00, v56;
	v6 =	vpop (erf)  }
0xad: {  	vm1 =	veq.s32 v57, $0x3;
	v8 =	vmul.f32 v8, v50;
	v6 =	vmul.f32 v6, v58  }
0xae: {  	vm3 =	vgt.s32 v57, $0x0;
	v9 =	vmul.f32 v9, v11;
	(erf) = vpow2.f32 v12  }
0xaf: {  	v14 =	vxor.u32 $0x80000000, v16;
	v54 =	vxor.u32 $0x80000000, v10;
	v6 =	vmul.f32 v6, v6  }
0xb0: {  	v7 =	vadd.f32 $2.213365950e-05, v7;
	v11 =	vsel vm0, $0x3E800000, v1;
	v60 =	vmul.f32 v8, v8  }
0xb1: {  	vm0 =	veq.s32 v57, $0x1;
	v8 =	vxor.u32 $0x80000000, v49;
	v61 =	vadd.f32 $2.213365950e-05, v9  }
0xb2: {  	v8 =	vsel vm1, v8, v49;
	v18 =	vmul.f32 v60, v18;
	v9 =	vpop (erf);
	v62 =	vmul.f32 v6, v11  }
0xb3: {  	v11 =	vsel vm2, v14, v16;
	v14 =	vmul.f32 $3.010222690e-02, v9;
	v16 =	vadd.f32 v61, v17;
	v6 =	vpop (erf)  }
0xb4: {  	v12 =	vsel vm0, v54, v10;
	v15 =	vadd.f32 $1.000000000e+00, v9;
	v17 =	vmul.f32 $3.010222690e-02, v6  }
0xb5: {  	v10 =	vmul.f32 v5, v59;
	v5 =	vadd.f32 $-1.301178490e-01, v14;
	v14 =	vmul.f32 v16, v62  }
0xb6: {  	(erf) = vrcp.f32 v15;
	v16 =	vadd.f32 $-1.301178490e-01, v17;
	v17 =	vadd.f32 v7, v19  }
0xb7: {  	v63 =	vmul.f32 v5, v9;
	v5 =	vadd.f32 v14, v13;
	v19 =	vadd.f32 $1.000000000e+00, v6;
	v7 =	vpop (erf)  }
0xb8: {  	v15 =	vadd.f32 $1.000000000e+00, v7;
	v13 =	vmul.f32 v16, v6;
	v14 =	vmul.f32 v17, v18  }
0xb9: {  	s24 =	simm.s32 $0x20;
	s22 =	simm.s32 $0x80;
	v16 =	vmul.f32 $3.010222690e-02, v7;
	v17 =	vadd.f32 $2.833022770e-01, v63;
	(erf) = vrcp.f32 v19  }
.LBB2_4:
0xba: {  	s23 =	smov.u32 s24  }
0xbb: {  	s25 =	sand.u32 $0x70, s24;
	s26 =	sand.u32 $0x7E00, s22;
	v18 =	vsel vm3, $0x3F800000, v0;
	v3 =	vadd.f32 v14, v3;
	v2 =	vadd.f32 v10, v2;
	s23 =	sadd.s32 $0x10, s24  }
0xbc: {  	p0 =	sne.s32 s24, $0x1FF0;
	s25 =	sor.u32 s25, s26;
	v4 =	vadd.f32 v18, v4;
	v10 =	vadd.f32 $-1.301178490e-01, v16;
	v14 =	vmul.f32 v17, v9  }
0xbd: {  	v19 =	vmax.f32 v11, $0.0e+00;
	v17 =	vmax.f32 v12, $0.0e+00;
	v18 =	vsel vm2, $0x3E800000, v1;
	v16 =	vld [tilespmem:s25+$0x8080]  }
0xbe: {  	vm2 =	vge.f32 v12, $0.0e+00;
	v10 =	vmul.f32 v10, v7;
	v12 =	vadd.f32 $-4.891557100e-01, v14;
	v20 =	vld [tilespmem:s25+$0x8100]  }
0xbf: {  	vm3 =	vge.f32 v11, $0.0e+00;
	v11 =	vsel vm1, $0x3E800000, v1;
	vm1 =	vge.f32 v8, $0.0e+00;
	v14 =	vld [tilespmem:s25+$0x8000];
	v21 =	vpop (erf)  }
0xc0: {  	v22 =	vsel vm3, $0x3F800000, v6;
	v10 =	vadd.f32 $2.833022770e-01, v10;
	v12 =	vmul.f32 v12, v9  }
0xc1: {  	v8 =	vmax.f32 v8, $0.0e+00;
	v23 =	vsel vm1, $0x3F800000, v9;
	(erf) = vrcp.f32 v15  }
0xc2: {  	v12 =	vadd.f32 $9.990102050e-01, v12;
	v15 =	vxor.u32 $0x80000000, v16;
	v24 =	vand.u32 $0x7FFFFFFF, v16  }
0xc3: {  	v10 =	vmul.f32 v10, v7;
	v24 =	vsub.f32 $0.0e+00, v24;
	v25 =	vand.u32 $0x7FFFFFFF, v20;
	v26 =	vpop (erf)  }
0xc4: {  	v9 =	vmul.f32 v12, v9;
	v27 =	vxor.u32 $0x80000000, v14;
	v25 =	vsub.f32 $0.0e+00, v25  }
0xc5: {  	v10 =	vadd.f32 $-4.891557100e-01, v10;
	v12 =	vand.u32 $0x7FFFFFFF, v14;
	v24 =	vmul.f32 $1.442695020e+00, v24  }
0xc6: {  	v21 =	vmul.f32 v21, v23;
	v9 =	vadd.f32 $2.213365950e-05, v9;
	v25 =	vmul.f32 $1.442695020e+00, v25  }
0xc7: {  	v13 =	vadd.f32 $2.833022770e-01, v13;
	v12 =	vsub.f32 $0.0e+00, v12;
	v10 =	vmul.f32 v10, v7  }
0xc8: {  	s24 =	sshra.s32 s22, $0x2;
	v23 =	vadd.f32 v9, v8;
	(erf) = vpow2.f32 v25;
	v25 =	vmul.f32 v21, v21  }
0xc9: {  	v9 =	vadd.f32 $9.990102050e-01, v10;
	v10 =	vmul.f32 v13, v6;
	v21 =	vld [tilespmem:s24+$0x12000];
	(erf) = vpow2.f32 v24  }
0xca: {  	v22 =	vmul.f32 v26, v22;
	v13 =	vsel vm2, $0x3F800000, v7;
	v24 =	vmul.f32 v25, v11;
	v8 =	vpop (erf)  }
0xcb: {  	v7 =	vmul.f32 v9, v7;
	v9 =	vadd.f32 $-4.891557100e-01, v10;
	v11 =	vmul.f32 $1.442695020e+00, v12  }
0xcc: {  	v10 =	vsel vm0, $0x3E800000, v1;
	v12 =	vmul.f32 v22, v22;
	v8 =	vmul.f32 v8, v13  }
0xcd: {  	v7 =	vadd.f32 $2.213365950e-05, v7;
	v9 =	vmul.f32 v9, v6;
	(erf) = vpow2.f32 v11  }
0xce: {  	v11 =	vxor.u32 $0x80000000, v20;
	v13 =	vmul.f32 v8, v8;
	vm1 =	veq.s32 v21, $0x3  }
0xcf: {  	vm0 =	veq.s32 v21, $0x1;
	v8 =	vsel vm1, v11, v20;
	v20 =	vadd.f32 $9.990102050e-01, v9  }
0xd0: {  	v18 =	vmul.f32 v12, v18;
	vm2 =	veq.s32 v21, $0x2;
	v13 =	vmul.f32 v13, v10  }
0xd1: {  	v12 =	vsel vm0, v27, v14;
	v11 =	vsel vm2, v15, v16;
	v9 =	vpop (erf);
	v10 =	vmul.f32 v20, v6  }
0xd2: {  	v7 =	vadd.f32 v7, v17;
	v14 =	vmul.f32 $3.010222690e-02, v9;
	v15 =	vadd.f32 $1.000000000e+00, v9;
	v6 =	vpop (erf)  }
0xd3: {  	v16 =	vmul.f32 $3.010222690e-02, v6;
	v17 =	vadd.f32 $2.213365950e-05, v10;
	v10 =	vmul.f32 v23, v24  }
.Ltmp1:
0xd4: {  	v13 =	vmul.f32 v7, v13;
	v14 =	vadd.f32 $-1.301178490e-01, v14;
	(erf) = vrcp.f32 v15;
	(pc) =	sbr.rel @p0 .LBB2_4-.Ltmp1, $4  }
0xd5: {  	vm3 =	vgt.s32 v21, $0x0;
	v16 =	vadd.f32 $-1.301178490e-01, v16;
	v17 =	vadd.f32 v17, v19  }
0xd6: {  	v5 =	vadd.f32 v13, v5;
	v19 =	vadd.f32 $1.000000000e+00, v6;
	v20 =	vmul.f32 v14, v9;
	v7 =	vpop (erf)  }
0xd7: {  	v15 =	vadd.f32 $1.000000000e+00, v7;
	v13 =	vmul.f32 v16, v6;
	v14 =	vmul.f32 v17, v18  }
0xd8: {  	s22 =	sadd.s32 $0x40, s22;
	s24 =	smov.u32 s23;
	v16 =	vmul.f32 $3.010222690e-02, v7;
	v17 =	vadd.f32 $2.833022770e-01, v20;
	(erf) = vrcp.f32 v19  }
0xd9: {  	(erf) = vrcp.f32 v15;
	_ =	sdelay $0x6  }
0xda: {  	v15 =	vpop (erf)  }
0xdb: {  	v18 =	vpop (erf)  }
0xdc: {  	v19 =	vpop (erf)  }
0xdd: {  	_ =	swait.ge [sflag:s15], $0x8000  }
0xde: {  	[sflag:s15] =	ssyncset.done $0x0  }
0xdf: {  	[sflag:s15] =	ssyncadd.s32 $0xFFFF8000  }
0xe0: {  	_ =	swait.ge [sflag:s15], $0x2000  }
0xe1: {  	[sflag:s15] =	ssyncset.done $0x0  }
0xe2: {  	s22 =	simm.s32 $0x0;
	v16 =	vadd.f32 $-1.301178490e-01, v16;
	[sflag:s15] =	ssyncadd.s32 $0xFFFFE000  }
0xe3: {  	v17 =	vmul.f32 v17, v9;
	[tilespmem:s16], [sflag:$0x2] =	stream.linear.gather [hbm4b:s10+s22], $0x8000, $0x38;
	[tilespmem:$0x14080] =	vst v63  }
0xe4: {  	v13 =	vadd.f32 $2.833022770e-01, v13;
	v16 =	vmul.f32 v16, v7  }
0xe5: {  	v17 =	vadd.f32 $-4.891557100e-01, v17;
	[tilespmem:s17], [sflag:$0x2] =	stream.linear.gather [hbm4b:s11+s22], $0x2000, $0x38;
	[tilespmem:$0x14080] =	vst v63  }
0xe6: {  	v20 =	vsel vm3, $0x3F800000, v0;
	v21 =	vmax.f32 v12, $0.0e+00;
	s23 =	sand.u32 $0x70, s22;
	v16 =	vadd.f32 $2.833022770e-01, v16;
	s22 =	sand.u32 $0x7E00, s22  }
0xe7: {  	v22 =	vsel vm2, $0x3E800000, v1;
	v13 =	vmul.f32 v13, v6;
	v17 =	vmul.f32 v17, v9;
	s22 =	sor.u32 s23, s22  }
0xe8: {  	v23 =	vmax.f32 v11, $0.0e+00;
	vm2 =	vge.f32 v12, $0.0e+00;
	v16 =	vmul.f32 v16, v7;
	v12 =	vld [tilespmem:s22+$0x100]  }
0xe9: {  	vm3 =	vge.f32 v11, $0.0e+00;
	v13 =	vadd.f32 $-4.891557100e-01, v13;
	v11 =	vadd.f32 $9.990102050e-01, v17  }
0xea: {  	v17 =	vsel vm1, $0x3E800000, v1;
	vm1 =	vge.f32 v8, $0.0e+00;
	v16 =	vadd.f32 $-4.891557100e-01, v16;
	v25 =	vld [tilespmem:s22+$0x80]  }
0xeb: {  	v13 =	vmul.f32 v13, v6;
	v11 =	vmul.f32 v11, v9;
	v9 =	vsel vm1, $0x3F800000, v9  }
0xec: {  	v24 =	vsel vm3, $0x3F800000, v6;
	v9 =	vmul.f32 v15, v9;
	v15 =	vmul.f32 v16, v7  }
0xed: {  	v26 =	vsel vm2, $0x3F800000, v7;
	v13 =	vadd.f32 $9.990102050e-01, v13;
	v16 =	vand.u32 $0x7FFFFFFF, v12  }
0xee: {  	v8 =	vmax.f32 v8, $0.0e+00;
	v15 =	vadd.f32 $9.990102050e-01, v15;
	v16 =	vsub.f32 $0.0e+00, v16  }
0xef: {  	v18 =	vmul.f32 v18, v24;
	v11 =	vadd.f32 $2.213365950e-05, v11;
	v46 =	vand.u32 $0x7FFFFFFF, v25  }
0xf0: {  	v7 =	vmul.f32 v15, v7;
	v15 =	vsub.f32 $0.0e+00, v46;
	v16 =	vmul.f32 $1.442695020e+00, v16  }
0xf1: {  	v19 =	vmul.f32 v19, v26;
	v6 =	vmul.f32 v13, v6;
	v8 =	vadd.f32 v11, v8;
	v11 =	vld [tilespmem:s22+$0x0]  }
0xf2: {  	v15 =	vmul.f32 $1.442695020e+00, v15;
	(erf) = vpow2.f32 v16  }
0xf3: {  	v18 =	vmul.f32 v18, v18;
	v6 =	vadd.f32 $2.213365950e-05, v6;
	v16 =	vmul.f32 v19, v19  }
0xf4: {  	v47 =	vsel vm0, $0x3E800000, v1;
	v9 =	vmul.f32 v9, v9;
	(erf) = vpow2.f32 v15  }
0xf5: {  	v6 =	vadd.f32 v6, v23;
	v15 =	vmul.f32 v16, v47;
	v16 =	vmul.f32 v18, v22  }
0xf6: {  	s28 =	simm.s32 $0x0;
	v3 =	vadd.f32 v14, v3;
	s29 =	simm.s32 $0x10;
	s30 =	simm.s32 $0x40;
	v13 =	vand.u32 $0x7FFFFFFF, v11  }
0xf7: {  	v9 =	vmul.f32 v9, v17;
	v14 =	vld [tilespmem:s28+$0x10000];
	s23 =	sand.u32 $0x7E00, s30;
	s22 =	sand.u32 $0x70, s29;
	v13 =	vsub.f32 $0.0e+00, v13;
	v6 =	vmul.f32 v6, v16  }
0xf8: {  	s22 =	sor.u32 s22, s23  }
0xf9: {  	v2 =	vadd.f32 v10, v2;
	v8 =	vmul.f32 v8, v9;
	v48 =	vld [tilespmem:s22+$0x100];
	v13 =	vmul.f32 $1.442695020e+00, v13  }
0xfa: {  	v4 =	vadd.f32 v20, v4;
	v7 =	vadd.f32 $2.213365950e-05, v7  }
0xfb: {  	v2 =	vadd.f32 v8, v2;
	(erf) = vpow2.f32 v13;
	v3 =	vadd.f32 v6, v3;
	v6 =	vpop (erf)  }
0xfc: {  	v7 =	vadd.f32 v7, v21;
	vm1 =	veq.s32 v14, $0x3;
	v9 =	vmul.f32 $3.010222690e-02, v6  }
0xfd: {  	vm0 =	veq.s32 v14, $0x1;
	vm2 =	veq.s32 v14, $0x2;
	vm3 =	vgt.s32 v14, $0x0  }
0xfe: {  	v10 =	vxor.u32 $0x80000000, v12;
	v52 =	vand.u32 $0x7FFFFFFF, v48;
	v9 =	vadd.f32 $-1.301178490e-01, v9  }
0xff: {  	v8 =	vxor.u32 $0x80000000, v11;
	v10 =	vsel vm1, v10, v12;
	v24 =	vsub.f32 $0.0e+00, v52  }
0x100: {  	v8 =	vsel vm0, v8, v11;
	v7 =	vmul.f32 v7, v15;
	v9 =	vmul.f32 v9, v6  }
0x101: {  	v17 =	vmax.f32 v8, $0.0e+00;
	v24 =	vmul.f32 $1.442695020e+00, v24;
	v18 =	vsel vm2, $0x3E800000, v1  }
0x102: {  	v5 =	vadd.f32 v7, v5;
	v7 =	vxor.u32 $0x80000000, v25;
	v9 =	vadd.f32 $2.833022770e-01, v9  }
0x103: {  	s31 =	simm.s32 $0x10;
	v7 =	vsel vm2, v7, v25;
	vm2 =	vge.f32 v8, $0.0e+00;
	v12 =	vadd.f32 $1.000000000e+00, v6;
	v13 =	vpop (erf)  }
0x104: {  	v56 =	vld [tilespmem:s31+$0x10000];
	v19 =	vmax.f32 v7, $0.0e+00;
	v11 =	vmul.f32 $3.010222690e-02, v13;
	v14 =	vpop (erf);
	v9 =	vmul.f32 v9, v6  }
0x105: {  	(erf) = vrcp.f32 v12;
	v12 =	vadd.f32 $1.000000000e+00, v13;
	v15 =	vadd.f32 $1.000000000e+00, v14  }
0x106: {  	v16 =	vmul.f32 $3.010222690e-02, v14;
	v57 =	vsel vm2, $0x3F800000, v14;
	v8 =	vadd.f32 $-4.891557100e-01, v9  }
0x107: {  	v11 =	vadd.f32 $-1.301178490e-01, v11;
	(erf) = vrcp.f32 v12;
	v12 =	vsel vm3, $0x3F800000, v0  }
0x108: {  	v4 =	vadd.f32 v12, v4;
	v12 =	vadd.f32 $-1.301178490e-01, v16;
	v16 =	vld [tilespmem:s22+$0x80];
	v8 =	vmul.f32 v8, v6  }
0x109: {  	vm2 =	veq.s32 v56, $0x2;
	vm3 =	vge.f32 v7, $0.0e+00;
	v7 =	vsel vm1, $0x3E800000, v1  }
0x10a: {  	vm1 =	vge.f32 v10, $0.0e+00;
	v11 =	vmul.f32 v11, v13;
	v8 =	vadd.f32 $9.990102050e-01, v8  }
0x10b: {  	v10 =	vmax.f32 v10, $0.0e+00;
	v49 =	vsel vm3, $0x3F800000, v13;
	v12 =	vmul.f32 v12, v14  }
0x10c: {  	v50 =	vsel vm1, $0x3F800000, v6;
	(erf) = vrcp.f32 v15;
	v11 =	vadd.f32 $2.833022770e-01, v11  }
0x10d: {  	v12 =	vadd.f32 $2.833022770e-01, v12;
	v9 =	vld [tilespmem:s22+$0x0];
	v51 =	vand.u32 $0x7FFFFFFF, v16;
	v6 =	vmul.f32 v8, v6  }
0x10e: {  	vm1 =	veq.s32 v56, $0x3;
	v11 =	vmul.f32 v11, v13;
	v23 =	vsub.f32 $0.0e+00, v51;
	v8 =	vpop (erf)  }
0x10f: {  	v12 =	vmul.f32 v12, v14;
	v6 =	vadd.f32 $2.213365950e-05, v6;
	v8 =	vmul.f32 v8, v50  }
0x110: {  	v11 =	vadd.f32 $-4.891557100e-01, v11;
	v23 =	vmul.f32 $1.442695020e+00, v23;
	(erf) = vpow2.f32 v24  }
0x111: {  	v12 =	vadd.f32 $-4.891557100e-01, v12;
	v10 =	vadd.f32 v6, v10;
	v6 =	vmul.f32 v8, v8  }
0x112: {  	vm3 =	vgt.s32 v56, $0x0;
	v11 =	vmul.f32 v11, v13;
	v54 =	vand.u32 $0x7FFFFFFF, v9  }
0x113: {  	v12 =	vmul.f32 v12, v14;
	v55 =	vsub.f32 $0.0e+00, v54;
	v8 =	vpop (erf);
	(erf) = vpow2.f32 v23  }
0x114: {  	v15 =	vxor.u32 $0x80000000, v16;
	v53 =	vxor.u32 $0x80000000, v9;
	v61 =	vadd.f32 $9.990102050e-01, v11  }
0x115: {  	v12 =	vadd.f32 $9.990102050e-01, v12;
	v58 =	vmul.f32 $1.442695020e+00, v55;
	v7 =	vmul.f32 v6, v7;
	v6 =	vpop (erf)  }
0x116: {  	v11 =	vsel vm2, v15, v16;
	v13 =	vmul.f32 v61, v13;
	v6 =	vmul.f32 v6, v57  }
0x117: {  	v12 =	vmul.f32 v12, v14;
	v14 =	vsel vm0, $0x3E800000, v1;
	(erf) = vpow2.f32 v58  }
0x118: {  	vm0 =	veq.s32 v56, $0x1;
	v8 =	vmul.f32 v8, v49;
	v6 =	vmul.f32 v6, v6  }
0x119: {  	v13 =	vadd.f32 $2.213365950e-05, v13;
	v60 =	vadd.f32 $2.213365950e-05, v12;
	v12 =	vsel vm0, v53, v9;
	v9 =	vpop (erf)  }
0x11a: {  	v59 =	vmul.f32 v8, v8;
	v15 =	vmul.f32 $3.010222690e-02, v9;
	v16 =	vadd.f32 $1.000000000e+00, v9  }
0x11b: {  	v17 =	vadd.f32 v60, v17;
	v10 =	vmul.f32 v10, v7;
	v14 =	vmul.f32 v6, v14  }
0x11c: {  	v18 =	vmul.f32 v59, v18;
	v7 =	vadd.f32 $-1.301178490e-01, v15;
	(erf) = vrcp.f32 v16;
	v6 =	vpop (erf)  }
0x11d: {  	v8 =	vxor.u32 $0x80000000, v48;
	v14 =	vmul.f32 v17, v14;
	v62 =	vmul.f32 $3.010222690e-02, v6  }
0x11e: {  	v17 =	vadd.f32 v13, v19;
	v63 =	vmul.f32 v7, v9;
	v19 =	vadd.f32 $1.000000000e+00, v6  }
0x11f: {  	v8 =	vsel vm1, v8, v48;
	v5 =	vadd.f32 v14, v5;
	v16 =	vadd.f32 $-1.301178490e-01, v62  }
0x120: {  	v7 =	vpop (erf);
	v14 =	vmul.f32 v17, v18;
	v17 =	vadd.f32 $2.833022770e-01, v63;
	(erf) = vrcp.f32 v19  }
0x121: {  	s24 =	simm.s32 $0x20;
	s22 =	simm.s32 $0x80;
	v15 =	vadd.f32 $1.000000000e+00, v7;
	v13 =	vmul.f32 v16, v6;
	v16 =	vmul.f32 $3.010222690e-02, v7  }
.LBB2_6:
0x122: {  	s23 =	smov.u32 s24  }
0x123: {  	s25 =	sand.u32 $0x70, s24;
	s26 =	sand.u32 $0x7E00, s22;
	v18 =	vsel vm3, $0x3F800000, v0;
	v3 =	vadd.f32 v14, v3;
	v2 =	vadd.f32 v10, v2;
	s23 =	sadd.s32 $0x10, s24  }
0x124: {  	p0 =	sne.s32 s24, $0x1FF0;
	s25 =	sor.u32 s25, s26;
	v4 =	vadd.f32 v18, v4;
	v10 =	vadd.f32 $-1.301178490e-01, v16;
	v14 =	vmul.f32 v17, v9  }
0x125: {  	v19 =	vmax.f32 v11, $0.0e+00;
	v17 =	vmax.f32 v12, $0.0e+00;
	v18 =	vsel vm2, $0x3E800000, v1;
	v16 =	vld [tilespmem:s25+$0x80]  }
0x126: {  	vm2 =	vge.f32 v12, $0.0e+00;
	v10 =	vmul.f32 v10, v7;
	v12 =	vadd.f32 $-4.891557100e-01, v14;
	v20 =	vld [tilespmem:s25+$0x100]  }
0x127: {  	vm3 =	vge.f32 v11, $0.0e+00;
	v11 =	vsel vm1, $0x3E800000, v1;
	vm1 =	vge.f32 v8, $0.0e+00;
	v14 =	vld [tilespmem:s25+$0x0];
	v21 =	vpop (erf)  }
0x128: {  	v22 =	vsel vm3, $0x3F800000, v6;
	v10 =	vadd.f32 $2.833022770e-01, v10;
	v12 =	vmul.f32 v12, v9  }
0x129: {  	v8 =	vmax.f32 v8, $0.0e+00;
	v23 =	vsel vm1, $0x3F800000, v9;
	(erf) = vrcp.f32 v15  }
0x12a: {  	v12 =	vadd.f32 $9.990102050e-01, v12;
	v15 =	vxor.u32 $0x80000000, v16;
	v24 =	vand.u32 $0x7FFFFFFF, v16  }
0x12b: {  	v10 =	vmul.f32 v10, v7;
	v24 =	vsub.f32 $0.0e+00, v24;
	v25 =	vand.u32 $0x7FFFFFFF, v20;
	v26 =	vpop (erf)  }
0x12c: {  	v9 =	vmul.f32 v12, v9;
	v27 =	vxor.u32 $0x80000000, v14;
	v25 =	vsub.f32 $0.0e+00, v25  }
0x12d: {  	v10 =	vadd.f32 $-4.891557100e-01, v10;
	v12 =	vand.u32 $0x7FFFFFFF, v14;
	v24 =	vmul.f32 $1.442695020e+00, v24  }
0x12e: {  	v21 =	vmul.f32 v21, v23;
	v9 =	vadd.f32 $2.213365950e-05, v9;
	v25 =	vmul.f32 $1.442695020e+00, v25  }
0x12f: {  	v13 =	vadd.f32 $2.833022770e-01, v13;
	v12 =	vsub.f32 $0.0e+00, v12;
	v10 =	vmul.f32 v10, v7  }
0x130: {  	s24 =	sshra.s32 s22, $0x2;
	v23 =	vadd.f32 v9, v8;
	(erf) = vpow2.f32 v25;
	v25 =	vmul.f32 v21, v21  }
0x131: {  	v9 =	vadd.f32 $9.990102050e-01, v10;
	v10 =	vmul.f32 v13, v6;
	v21 =	vld [tilespmem:s24+$0x10000];
	(erf) = vpow2.f32 v24  }
0x132: {  	v22 =	vmul.f32 v26, v22;
	v13 =	vsel vm2, $0x3F800000, v7;
	v24 =	vmul.f32 v25, v11;
	v8 =	vpop (erf)  }
0x133: {  	v7 =	vmul.f32 v9, v7;
	v9 =	vadd.f32 $-4.891557100e-01, v10;
	v11 =	vmul.f32 $1.442695020e+00, v12  }
0x134: {  	v10 =	vsel vm0, $0x3E800000, v1;
	v12 =	vmul.f32 v22, v22;
	v8 =	vmul.f32 v8, v13  }
0x135: {  	v7 =	vadd.f32 $2.213365950e-05, v7;
	v9 =	vmul.f32 v9, v6;
	(erf) = vpow2.f32 v11  }
0x136: {  	v11 =	vxor.u32 $0x80000000, v20;
	v13 =	vmul.f32 v8, v8;
	vm1 =	veq.s32 v21, $0x3  }
0x137: {  	vm0 =	veq.s32 v21, $0x1;
	v8 =	vsel vm1, v11, v20;
	v20 =	vadd.f32 $9.990102050e-01, v9  }
0x138: {  	v18 =	vmul.f32 v12, v18;
	vm2 =	veq.s32 v21, $0x2;
	v13 =	vmul.f32 v13, v10  }
0x139: {  	v12 =	vsel vm0, v27, v14;
	v11 =	vsel vm2, v15, v16;
	v9 =	vpop (erf);
	v10 =	vmul.f32 v20, v6  }
0x13a: {  	v7 =	vadd.f32 v7, v17;
	v14 =	vmul.f32 $3.010222690e-02, v9;
	v15 =	vadd.f32 $1.000000000e+00, v9;
	v6 =	vpop (erf)  }
0x13b: {  	v16 =	vmul.f32 $3.010222690e-02, v6;
	v17 =	vadd.f32 $2.213365950e-05, v10;
	v10 =	vmul.f32 v23, v24  }
.Ltmp2:
0x13c: {  	v13 =	vmul.f32 v7, v13;
	v14 =	vadd.f32 $-1.301178490e-01, v14;
	(erf) = vrcp.f32 v15;
	(pc) =	sbr.rel @p0 .LBB2_6-.Ltmp2, $4  }
0x13d: {  	vm3 =	vgt.s32 v21, $0x0;
	v16 =	vadd.f32 $-1.301178490e-01, v16;
	v17 =	vadd.f32 v17, v19  }
0x13e: {  	v5 =	vadd.f32 v13, v5;
	v19 =	vadd.f32 $1.000000000e+00, v6;
	v20 =	vmul.f32 v14, v9;
	v7 =	vpop (erf)  }
0x13f: {  	v15 =	vadd.f32 $1.000000000e+00, v7;
	v13 =	vmul.f32 v16, v6;
	v14 =	vmul.f32 v17, v18  }
0x140: {  	s22 =	sadd.s32 $0x40, s22;
	s24 =	smov.u32 s23;
	v16 =	vmul.f32 $3.010222690e-02, v7;
	v17 =	vadd.f32 $2.833022770e-01, v20;
	(erf) = vrcp.f32 v19  }
0x141: {  	(erf) = vrcp.f32 v15;
	_ =	sdelay $0x6  }
0x142: {  	v15 =	vpop (erf)  }
0x143: {  	v18 =	vpop (erf)  }
0x144: {  	v19 =	vpop (erf)  }
0x145: {  	v16 =	vadd.f32 $-1.301178490e-01, v16;
	_ =	swait.ge [sflag:s18], $0x8000  }
0x146: {  	v17 =	vmul.f32 v17, v9;
	[sflag:s18] =	ssyncset.done $0x0  }
0x147: {  	v16 =	vmul.f32 v16, v7;
	[sflag:s18] =	ssyncadd.s32 $0xFFFF8000  }
0x148: {  	s22 =	simm.s32 $0x0;
	v20 =	vsel vm3, $0x3F800000, v0;
	v13 =	vadd.f32 $2.833022770e-01, v13;
	v17 =	vadd.f32 $-4.891557100e-01, v17;
	_ =	swait.ge [sflag:s18], $0x2000  }
0x149: {  	v21 =	vmax.f32 v12, $0.0e+00;
	v22 =	vsel vm2, $0x3E800000, v1;
	s23 =	sand.u32 $0x70, s22;
	s22 =	sand.u32 $0x7E00, s22;
	v16 =	vadd.f32 $2.833022770e-01, v16;
	[sflag:s18] =	ssyncset.done $0x0  }
0x14a: {  	v23 =	vmax.f32 v11, $0.0e+00;
	s22 =	sor.u32 s23, s22;
	v13 =	vmul.f32 v13, v6;
	v17 =	vmul.f32 v17, v9;
	[sflag:s18] =	ssyncadd.s32 $0xFFFFE000  }
0x14b: {  	vm2 =	vge.f32 v12, $0.0e+00;
	vm3 =	vge.f32 v11, $0.0e+00;
	v16 =	vmul.f32 v16, v7;
	v12 =	vld [tilespmem:s22+$0x8100]  }
0x14c: {  	v24 =	vsel vm3, $0x3F800000, v6;
	v13 =	vadd.f32 $-4.891557100e-01, v13;
	v11 =	vadd.f32 $9.990102050e-01, v17  }
0x14d: {  	v17 =	vsel vm1, $0x3E800000, v1;
	vm1 =	vge.f32 v8, $0.0e+00;
	v16 =	vadd.f32 $-4.891557100e-01, v16;
	v25 =	vld [tilespmem:s22+$0x8080]  }
0x14e: {  	v13 =	vmul.f32 v13, v6;
	v11 =	vmul.f32 v11, v9;
	v9 =	vsel vm1, $0x3F800000, v9  }
0x14f: {  	v26 =	vsel vm2, $0x3F800000, v7;
	v9 =	vmul.f32 v15, v9;
	v15 =	vmul.f32 v16, v7  }
0x150: {  	v13 =	vadd.f32 $9.990102050e-01, v13;
	v11 =	vadd.f32 $2.213365950e-05, v11;
	v16 =	vand.u32 $0x7FFFFFFF, v12  }
0x151: {  	v8 =	vmax.f32 v8, $0.0e+00;
	v15 =	vadd.f32 $9.990102050e-01, v15;
	v16 =	vsub.f32 $0.0e+00, v16  }
0x152: {  	v6 =	vmul.f32 v13, v6;
	v8 =	vadd.f32 v11, v8;
	v11 =	vld [tilespmem:s22+$0x8000];
	v49 =	vand.u32 $0x7FFFFFFF, v25  }
0x153: {  	v7 =	vmul.f32 v15, v7;
	v15 =	vsub.f32 $0.0e+00, v49;
	v16 =	vmul.f32 $1.442695020e+00, v16  }
0x154: {  	v18 =	vmul.f32 v18, v24;
	v19 =	vmul.f32 v19, v26  }
0x155: {  	v6 =	vadd.f32 $2.213365950e-05, v6;
	v15 =	vmul.f32 $1.442695020e+00, v15;
	(erf) = vpow2.f32 v16  }
0x156: {  	v50 =	vsel vm0, $0x3E800000, v1;
	v18 =	vmul.f32 v18, v18;
	v16 =	vmul.f32 v19, v19  }
0x157: {  	v6 =	vadd.f32 v6, v23;
	v13 =	vand.u32 $0x7FFFFFFF, v11;
	(erf) = vpow2.f32 v15  }
0x158: {  	v13 =	vsub.f32 $0.0e+00, v13;
	v15 =	vmul.f32 v16, v50;
	v16 =	vmul.f32 v18, v22  }
0x159: {  	v9 =	vmul.f32 v9, v9  }
0x15a: {  	s28 =	simm.s32 $0x0;
	v13 =	vmul.f32 $1.442695020e+00, v13;
	v6 =	vmul.f32 v6, v16  }
0x15b: {  	v3 =	vadd.f32 v14, v3;
	s29 =	simm.s32 $0x10;
	s30 =	simm.s32 $0x40;
	v9 =	vmul.f32 v9, v17;
	v14 =	vld [tilespmem:s28+$0x12000]  }
0x15c: {  	s23 =	sand.u32 $0x7E00, s30;
	s22 =	sand.u32 $0x70, s29;
	(erf) = vpow2.f32 v13  }
0x15d: {  	v2 =	vadd.f32 v10, v2;
	v8 =	vmul.f32 v8, v9;
	v7 =	vadd.f32 $2.213365950e-05, v7;
	s22 =	sor.u32 s22, s23  }
0x15e: {  	v4 =	vadd.f32 v20, v4;
	v51 =	vld [tilespmem:s22+$0x8100];
	v3 =	vadd.f32 v6, v3;
	v6 =	vpop (erf)  }
0x15f: {  	v2 =	vadd.f32 v8, v2;
	v7 =	vadd.f32 v7, v21;
	v9 =	vmul.f32 $3.010222690e-02, v6  }
0x160: {  	v8 =	vxor.u32 $0x80000000, v11;
	vm1 =	veq.s32 v14, $0x3;
	v10 =	vxor.u32 $0x80000000, v12  }
0x161: {  	vm0 =	veq.s32 v14, $0x1;
	vm2 =	veq.s32 v14, $0x2;
	v9 =	vadd.f32 $-1.301178490e-01, v9  }
0x162: {  	vm3 =	vgt.s32 v14, $0x0;
	v10 =	vsel vm1, v10, v12;
	v8 =	vsel vm0, v8, v11  }
0x163: {  	v55 =	vand.u32 $0x7FFFFFFF, v51;
	v12 =	vadd.f32 $1.000000000e+00, v6;
	v9 =	vmul.f32 v9, v6  }
0x164: {  	v17 =	vmax.f32 v8, $0.0e+00;
	v24 =	vsub.f32 $0.0e+00, v55;
	v7 =	vmul.f32 v7, v15;
	v13 =	vpop (erf)  }
0x165: {  	v14 =	vpop (erf);
	(erf) = vrcp.f32 v12;
	v12 =	vadd.f32 $1.000000000e+00, v13;
	v9 =	vadd.f32 $2.833022770e-01, v9  }
0x166: {  	v5 =	vadd.f32 v7, v5;
	v7 =	vxor.u32 $0x80000000, v25;
	v16 =	vmul.f32 $3.010222690e-02, v14  }
0x167: {  	(erf) = vrcp.f32 v12;
	v12 =	vsel vm3, $0x3F800000, v0;
	v9 =	vmul.f32 v9, v6  }
0x168: {  	v18 =	vsel vm2, $0x3E800000, v1;
	v7 =	vsel vm2, v7, v25;
	v4 =	vadd.f32 v12, v4  }
0x169: {  	vm2 =	vge.f32 v8, $0.0e+00;
	v12 =	vadd.f32 $-1.301178490e-01, v16;
	v8 =	vadd.f32 $-4.891557100e-01, v9  }
0x16a: {  	v24 =	vmul.f32 $1.442695020e+00, v24;
	v11 =	vmul.f32 $3.010222690e-02, v13  }
0x16b: {  	v12 =	vmul.f32 v12, v14;
	v8 =	vmul.f32 v8, v6  }
0x16c: {  	v19 =	vmax.f32 v7, $0.0e+00;
	v15 =	vadd.f32 $1.000000000e+00, v14;
	v11 =	vadd.f32 $-1.301178490e-01, v11;
	v16 =	vld [tilespmem:s22+$0x8080]  }
0x16d: {  	s31 =	simm.s32 $0x10;
	vm3 =	vge.f32 v7, $0.0e+00;
	v12 =	vadd.f32 $2.833022770e-01, v12;
	v8 =	vadd.f32 $9.990102050e-01, v8  }
0x16e: {  	v60 =	vld [tilespmem:s31+$0x12000];
	v7 =	vsel vm1, $0x3E800000, v1;
	vm1 =	vge.f32 v10, $0.0e+00;
	v11 =	vmul.f32 v11, v13  }
0x16f: {  	v10 =	vmax.f32 v10, $0.0e+00;
	(erf) = vrcp.f32 v15;
	v12 =	vmul.f32 v12, v14  }
0x170: {  	v52 =	vsel vm3, $0x3F800000, v13;
	v53 =	vsel vm1, $0x3F800000, v6;
	v9 =	vld [tilespmem:s22+$0x8000];
	v6 =	vmul.f32 v8, v6  }
0x171: {  	v11 =	vadd.f32 $2.833022770e-01, v11;
	v54 =	vand.u32 $0x7FFFFFFF, v16;
	v12 =	vadd.f32 $-4.891557100e-01, v12;
	v8 =	vpop (erf)  }
0x172: {  	v23 =	vsub.f32 $0.0e+00, v54;
	v6 =	vadd.f32 $2.213365950e-05, v6;
	v8 =	vmul.f32 v8, v53  }
0x173: {  	vm1 =	veq.s32 v60, $0x3;
	v11 =	vmul.f32 v11, v13;
	v12 =	vmul.f32 v12, v14  }
0x174: {  	v23 =	vmul.f32 $1.442695020e+00, v23;
	v59 =	vadd.f32 v6, v10;
	v6 =	vmul.f32 v8, v8  }
0x175: {  	v57 =	vand.u32 $0x7FFFFFFF, v9;
	(erf) = vpow2.f32 v24;
	v10 =	vadd.f32 $9.990102050e-01, v12  }
0x176: {  	vm3 =	vgt.s32 v60, $0x0;
	v58 =	vsub.f32 $0.0e+00, v57;
	v8 =	vpop (erf);
	(erf) = vpow2.f32 v23  }
0x177: {  	v11 =	vadd.f32 $-4.891557100e-01, v11;
	v10 =	vmul.f32 v10, v14;
	v61 =	vmul.f32 v6, v7  }
0x178: {  	v12 =	vsel vm2, $0x3F800000, v14;
	v7 =	vmul.f32 $1.442695020e+00, v58;
	v8 =	vmul.f32 v8, v52;
	v6 =	vpop (erf)  }
0x179: {  	v6 =	vmul.f32 v6, v12;
	v12 =	vadd.f32 $2.213365950e-05, v10;
	v10 =	vmul.f32 v11, v13  }
0x17a: {  	v15 =	vxor.u32 $0x80000000, v16;
	(erf) = vpow2.f32 v7;
	v8 =	vmul.f32 v8, v8  }
0x17b: {  	v56 =	vxor.u32 $0x80000000, v9;
	v6 =	vmul.f32 v6, v6;
	v62 =	vadd.f32 $9.990102050e-01, v10  }
0x17c: {  	vm2 =	veq.s32 v60, $0x2;
	v14 =	vsel vm0, $0x3E800000, v1;
	vm0 =	veq.s32 v60, $0x1  }
0x17d: {  	v7 =	vxor.u32 $0x80000000, v51;
	v11 =	vsel vm0, v56, v9;
	v9 =	vmul.f32 v62, v13  }
0x17e: {  	v18 =	vmul.f32 v8, v18;
	v10 =	vsel vm2, v15, v16;
	v16 =	vadd.f32 v12, v17;
	v8 =	vpop (erf)  }
0x17f: {  	v14 =	vmul.f32 v6, v14;
	v13 =	vmul.f32 $3.010222690e-02, v8;
	v6 =	vpop (erf);
	v9 =	vadd.f32 $2.213365950e-05, v9  }
0x180: {  	v7 =	vsel vm1, v7, v51;
	v15 =	vadd.f32 $1.000000000e+00, v8;
	v17 =	vmul.f32 $3.010222690e-02, v6  }
0x181: {  	v12 =	vmul.f32 v59, v61;
	v14 =	vmul.f32 v16, v14;
	v13 =	vadd.f32 $-1.301178490e-01, v13  }
0x182: {  	(erf) = vrcp.f32 v15;
	v16 =	vadd.f32 $-1.301178490e-01, v17;
	v17 =	vadd.f32 v9, v19  }
0x183: {  	v5 =	vadd.f32 v14, v5;
	v19 =	vadd.f32 $1.000000000e+00, v6;
	v63 =	vmul.f32 v13, v8;
	v9 =	vpop (erf)  }
0x184: {  	v15 =	vadd.f32 $1.000000000e+00, v9;
	v13 =	vmul.f32 v16, v6;
	v14 =	vmul.f32 v17, v18  }
0x185: {  	s24 =	simm.s32 $0x20;
	s22 =	simm.s32 $0x80;
	v17 =	vmul.f32 $3.010222690e-02, v9;
	v16 =	vadd.f32 $2.833022770e-01, v63;
	(erf) = vrcp.f32 v19  }
.LBB2_8:
0x186: {  	s23 =	smov.u32 s24  }
0x187: {  	s25 =	sand.u32 $0x70, s24;
	s26 =	sand.u32 $0x7E00, s22;
	v18 =	vsel vm3, $0x3F800000, v0;
	v3 =	vadd.f32 v14, v3;
	v2 =	vadd.f32 v12, v2;
	s23 =	sadd.s32 $0x10, s24  }
0x188: {  	p0 =	sne.s32 s24, $0x1FF0;
	s25 =	sor.u32 s25, s26;
	v4 =	vadd.f32 v18, v4;
	v12 =	vadd.f32 $-1.301178490e-01, v17;
	v14 =	vmul.f32 v16, v8  }
0x189: {  	v19 =	vmax.f32 v10, $0.0e+00;
	v17 =	vmax.f32 v11, $0.0e+00;
	v18 =	vsel vm2, $0x3E800000, v1;
	v16 =	vld [tilespmem:s25+$0x8080]  }
0x18a: {  	vm2 =	vge.f32 v11, $0.0e+00;
	v12 =	vmul.f32 v12, v9;
	v11 =	vadd.f32 $-4.891557100e-01, v14;
	v20 =	vld [tilespmem:s25+$0x8100]  }
0x18b: {  	vm3 =	vge.f32 v10, $0.0e+00;
	v10 =	vsel vm1, $0x3E800000, v1;
	vm1 =	vge.f32 v7, $0.0e+00;
	v14 =	vld [tilespmem:s25+$0x8000];
	v21 =	vpop (erf)  }
0x18c: {  	v22 =	vsel vm3, $0x3F800000, v6;
	v12 =	vadd.f32 $2.833022770e-01, v12;
	v11 =	vmul.f32 v11, v8  }
0x18d: {  	v7 =	vmax.f32 v7, $0.0e+00;
	v23 =	vsel vm1, $0x3F800000, v8;
	(erf) = vrcp.f32 v15  }
0x18e: {  	v11 =	vadd.f32 $9.990102050e-01, v11;
	v15 =	vxor.u32 $0x80000000, v16;
	v24 =	vand.u32 $0x7FFFFFFF, v16  }
0x18f: {  	v12 =	vmul.f32 v12, v9;
	v24 =	vsub.f32 $0.0e+00, v24;
	v25 =	vand.u32 $0x7FFFFFFF, v20;
	v26 =	vpop (erf)  }
0x190: {  	v8 =	vmul.f32 v11, v8;
	v27 =	vxor.u32 $0x80000000, v14;
	v25 =	vsub.f32 $0.0e+00, v25  }
0x191: {  	v12 =	vadd.f32 $-4.891557100e-01, v12;
	v11 =	vand.u32 $0x7FFFFFFF, v14;
	v24 =	vmul.f32 $1.442695020e+00, v24  }
0x192: {  	v21 =	vmul.f32 v21, v23;
	v8 =	vadd.f32 $2.213365950e-05, v8;
	v25 =	vmul.f32 $1.442695020e+00, v25  }
0x193: {  	v13 =	vadd.f32 $2.833022770e-01, v13;
	v11 =	vsub.f32 $0.0e+00, v11;
	v12 =	vmul.f32 v12, v9  }
0x194: {  	s24 =	sshra.s32 s22, $0x2;
	v23 =	vadd.f32 v8, v7;
	(erf) = vpow2.f32 v25;
	v25 =	vmul.f32 v21, v21  }
0x195: {  	v8 =	vadd.f32 $9.990102050e-01, v12;
	v12 =	vmul.f32 v13, v6;
	v21 =	vld [tilespmem:s24+$0x12000];
	(erf) = vpow2.f32 v24  }
0x196: {  	v22 =	vmul.f32 v26, v22;
	v13 =	vsel vm2, $0x3F800000, v9;
	v24 =	vmul.f32 v25, v10;
	v7 =	vpop (erf)  }
0x197: {  	v8 =	vmul.f32 v8, v9;
	v9 =	vadd.f32 $-4.891557100e-01, v12;
	v10 =	vmul.f32 $1.442695020e+00, v11  }
0x198: {  	v12 =	vmul.f32 v22, v22;
	v11 =	vsel vm0, $0x3E800000, v1;
	v7 =	vmul.f32 v7, v13  }
0x199: {  	v13 =	vadd.f32 $2.213365950e-05, v8;
	v8 =	vmul.f32 v9, v6;
	(erf) = vpow2.f32 v10  }
0x19a: {  	v9 =	vxor.u32 $0x80000000, v20;
	v10 =	vmul.f32 v7, v7;
	vm1 =	veq.s32 v21, $0x3  }
0x19b: {  	vm0 =	veq.s32 v21, $0x1;
	v7 =	vsel vm1, v9, v20;
	v9 =	vadd.f32 $9.990102050e-01, v8  }
0x19c: {  	v18 =	vmul.f32 v12, v18;
	vm2 =	veq.s32 v21, $0x2;
	v20 =	vmul.f32 v10, v11  }
0x19d: {  	v11 =	vsel vm0, v27, v14;
	v10 =	vsel vm2, v15, v16;
	v8 =	vpop (erf);
	v9 =	vmul.f32 v9, v6  }
0x19e: {  	v13 =	vadd.f32 v13, v17;
	v14 =	vmul.f32 $3.010222690e-02, v8;
	v15 =	vadd.f32 $1.000000000e+00, v8;
	v6 =	vpop (erf)  }
0x19f: {  	v12 =	vmul.f32 v23, v24;
	v16 =	vmul.f32 $3.010222690e-02, v6;
	v22 =	vadd.f32 $2.213365950e-05, v9  }
.Ltmp3:
0x1a0: {  	v13 =	vmul.f32 v13, v20;
	v14 =	vadd.f32 $-1.301178490e-01, v14;
	(erf) = vrcp.f32 v15;
	(pc) =	sbr.rel @p0 .LBB2_8-.Ltmp3, $4  }
0x1a1: {  	vm3 =	vgt.s32 v21, $0x0;
	v16 =	vadd.f32 $-1.301178490e-01, v16;
	v17 =	vadd.f32 v22, v19  }
0x1a2: {  	v5 =	vadd.f32 v13, v5;
	v19 =	vadd.f32 $1.000000000e+00, v6;
	v20 =	vmul.f32 v14, v8;
	v9 =	vpop (erf)  }
0x1a3: {  	v15 =	vadd.f32 $1.000000000e+00, v9;
	v13 =	vmul.f32 v16, v6;
	v14 =	vmul.f32 v17, v18  }
0x1a4: {  	s22 =	sadd.s32 $0x40, s22;
	s24 =	smov.u32 s23;
	v17 =	vmul.f32 $3.010222690e-02, v9;
	v16 =	vadd.f32 $2.833022770e-01, v20;
	(erf) = vrcp.f32 v19  }
0x1a5: {  	_ = 	snop  }
0x1a6: {  	v17 =	vadd.f32 $-1.301178490e-01, v17;
	_ =	sdelay $0x1  }
0x1a7: {  	v17 =	vmul.f32 v17, v9  }
0x1a8: {  	v13 =	vadd.f32 $2.833022770e-01, v13  }
0x1a9: {  	(erf) = vrcp.f32 v15;
	v16 =	vmul.f32 v16, v8;
	v17 =	vadd.f32 $2.833022770e-01, v17  }
0x1aa: {  	v13 =	vmul.f32 v13, v6  }
0x1ab: {  	v16 =	vadd.f32 $-4.891557100e-01, v16;
	v48 =	vmul.f32 v17, v9  }
0x1ac: {  	vm4 =	vge.f32 v10, $0.0e+00;
	v13 =	vadd.f32 $-4.891557100e-01, v13  }
0x1ad: {  	vm5 =	vge.f32 v11, $0.0e+00;
	v16 =	vmul.f32 v16, v8;
	v15 =	vadd.f32 $-4.891557100e-01, v48  }
0x1ae: {  	vm15 =	vge.f32 v7, $0.0e+00;
	v54 =	vmax.f32 v11, $0.0e+00;
	v13 =	vmul.f32 v13, v6  }
0x1af: {  	v55 =	vsel vm2, $0x3E800000, v1;
	v16 =	vadd.f32 $9.990102050e-01, v16;
	v15 =	vmul.f32 v15, v9  }
0x1b0: {  	v56 =	vmax.f32 v10, $0.0e+00;
	v57 =	vsel vm1, $0x3E800000, v1;
	v18 =	vpop (erf);
	v13 =	vadd.f32 $9.990102050e-01, v13  }
0x1b1: {  	v49 =	vsel vm4, $0x3F800000, v6;
	v51 =	vpop (erf);
	v50 =	vmul.f32 v16, v8;
	v15 =	vadd.f32 $9.990102050e-01, v15  }
0x1b2: {  	v20 =	vsel vm5, $0x3F800000, v9;
	v16 =	vmul.f32 v51, v49;
	v53 =	vpop (erf);
	v58 =	vmul.f32 v13, v6  }
0x1b3: {  	v19 =	vsel vm15, $0x3F800000, v8;
	v52 =	vmul.f32 v15, v9;
	v15 =	vmul.f32 v53, v20  }
0x1b4: {  	v60 =	vsel vm0, $0x3E800000, v1;
	v59 =	vmul.f32 v18, v19;
	v16 =	vmul.f32 v16, v16  }
0x1b5: {  	v6 =	vadd.f32 $2.213365950e-05, v58;
	v15 =	vmul.f32 v15, v15;
	v9 =	vadd.f32 $2.213365950e-05, v52  }
0x1b6: {  	v13 =	vmul.f32 v59, v59;
	v8 =	vadd.f32 $2.213365950e-05, v50;
	v16 =	vmul.f32 v16, v55  }
0x1b7: {  	v6 =	vadd.f32 v6, v56;
	v15 =	vmul.f32 v15, v60;
	v9 =	vadd.f32 v9, v54  }
0x1b8: {  	v3 =	vadd.f32 v14, v3;
	v61 =	vmax.f32 v7, $0.0e+00;
	v62 =	vmul.f32 v13, v57  }
0x1b9: {  	v7 =	vadd.f32 v8, v61;
	v6 =	vmul.f32 v6, v16;
	v63 =	vmul.f32 v9, v15  }
0x1ba: {  	v2 =	vadd.f32 v12, v2  }
0x1bb: {  	v7 =	vmul.f32 v7, v62;
	v3 =	vadd.f32 v6, v3;
	v5 =	vadd.f32 v63, v5;
	_ =	sdelay $0x1  }
0x1bc: {  	v2 =	vadd.f32 v7, v2;
	v3 =	vadd.f32 v3, v5;
	_ =	sdelay $0x1  }
0x1bd: {  	v2 =	vadd.f32 v2, v3;
	_ =	sdelay $0x1  }
0x1be: {  	[tilespmem:$0x14000] =	vst v2  }
0x1bf: {  	[hbm4b:s12+s2] =	stream.linear.scatter [tilespmem:s19], [sflag:$0x3], $0x80, $0x38;
	[tilespmem:$0x14080] =	vst v63  }
0x1c0: {  	v2 =	vsel vm3, $0x3F800000, v0;
	_ =	swait.ge [sflag:s20], $0x80  }
0x1c1: {  	s21 =	sadd.s32 $0x1, s21;
	v2 =	vadd.f32 v2, v4;
	[sflag:s20] =	ssyncset.done $0x0  }
0x1c2: {  	p0 =	sne.s32 s21, s13;
	[sflag:s20] =	ssyncadd.s32 $0xFFFFFF80  }
.Ltmp4:
0x1c3: {  	[tilespmem:$0x14000] =	vst v2;
	(pc) =	sbr.rel @p0 .LBB2_1-.Ltmp4, $4  }
0x1c4: {  	[hbm4b:s9+s2] =	stream.linear.scatter [tilespmem:s19], [sflag:$0x3], $0x80, $0x38;
	[tilespmem:$0x14080] =	vst v63  }
0x1c5: {  	_ =	swait.ge [sflag:s20], $0x80  }
0x1c6: {  	[sflag:s20] =	ssyncset.done $0x0  }
0x1c7: {  	[sflag:s20] =	ssyncadd.s32 $0xFFFFFF80  }
0x1c8: {  	_ =	sfence.sel $0x180000  }
0x1c9: {  	[bflag:$0x0] =	sbarrier.arrive $0xFFFF  }
0x1ca: {  	p0 =	sne.s32 s1, $0x0;
	_ =	strace $0x90000047  }
0x1cb: {  	s0 =	sadd.s32 @!p0 $0x100000, s0;
	[bflag:$0x2] =	sbarrier.arrive $0xFFFF  }
0x1cc: {  	[sflag:s0] =	ssyncadd.tile.s32 @!p0 $0x1;
	_ =	shalt  }
.Lfunc_end2:
_tile_overlayer_lowered:
.L_overlay_start_2:
0x1cd: {  	(tag) =	ssettag $0x2  }
0x1ce: {  	s0 =	rddreg [dreg:$0x0];
	s2 =	stileid.u32  }
0x1cf: {  	s1 =	rddreg [dreg:$0x1];
	p0 =	sne.s32 s2, $0x0  }
0x1d0: {  	s3 =	rddreg [dreg:$0x2];
	[bflag:$0x3] =	sbarrier.arrive $0xFFFF;
	s2 =	simm.s32 @!p0 $0x1C03  }
0x1d1: {  	[timem:s3], [sflag:s2] =	dma.local @!p0 [hbm:s0], s1  }
0x1d2: {  	s0 =	simm.s32 @!p0 $0x3  }
0x1d3: {  	_ =	swait.ge @!p0 [sflag:s0], s1  }
0x1d4: {  	s1 =	ssub.s32 @!p0 $0x0, s1;
	[sflag:s0] =	ssyncset.done @!p0 $0x0  }
0x1d5: {  	[sflag:s0] =	ssyncadd.s32 @!p0 s1  }
0x1d6: {  	[bflag:$0x3] =	sbarrier.arrive $0xFFFF  }
0x1d7: {  	_ =	shalt  }

</sc_bundles>
